<compile_context>
chip_gen: v7x
topology: tpu7x:2x2x1
jax: 0.10.2.dev20260603
libtpu: 0.0.44.dev20260713+nightly
codegen_flags: <defaults>
</compile_context>

<pallas_src>
import math
import functools

import jax
import jax.numpy as jnp
from jax import lax
from jax.experimental import pallas as pl
from jax.experimental.pallas import tpu as pltpu
from jax.experimental.pallas import tpu_sc as plsc

VOCAB = 100000
D_MODEL = 128
MAX_LEN = 256
BATCH = 1024
SEQ = 200

_NC = 2
_NS = 16
_NW = _NC * _NS
_SEQ_PER_W = BATCH // _NW
_SCALE = jnp.float32(math.sqrt(float(D_MODEL)))

_SPLIT = 104


def _sinusoidal_pe_rows(seq, d_model):
    pos = jnp.arange(MAX_LEN, dtype=jnp.float32)[:, None]
    div = jnp.exp(
        jnp.arange(0, d_model, 2, dtype=jnp.float32)
        * (-math.log(10000.0) / d_model)
    )
    pe = jnp.zeros((MAX_LEN, d_model), dtype=jnp.float32)
    pe = pe.at[:, 0::2].set(jnp.sin(pos * div))
    pe = pe.at[:, 1::2].set(jnp.cos(pos * div))
    return pe[:seq]


_NSLOT = 3


def _body(x_hbm, table_hbm, pe_hbm, out_hbm,
          idx_v, rows0, rows1, rows2, pe_v,
          gs0, gs1, gs2, os0, os1, os2):
    wid = lax.axis_index("s") * _NC + lax.axis_index("c")
    seq0 = wid * _SEQ_PER_W

    pltpu.sync_copy(x_hbm.at[pl.ds(seq0 * SEQ, _SEQ_PER_W * SEQ)], idx_v)
    pltpu.sync_copy(pe_hbm, pe_v)

    rows = (rows0, rows1, rows2)
    gsem = (gs0, gs1, gs2)
    osem = (os0, os1, os2)

    def gather_copies(i, b):
        off = i * SEQ
        return (
            (table_hbm.at[idx_v.at[pl.ds(off, _SPLIT)]],
             rows[b].at[pl.ds(0, _SPLIT), :], gsem[b]),
            (table_hbm.at[idx_v.at[pl.ds(off + _SPLIT, SEQ - _SPLIT)]],
             rows[b].at[pl.ds(_SPLIT, SEQ - _SPLIT), :], gsem[b]),
        )

    def fire_gather(i, b):
        for c in gather_copies(i, b):
            pltpu.async_copy(*c)

    def wait_gather(i, b):
        for c in gather_copies(i, b):
            pltpu.make_async_copy(*c).wait()

    def compute(b):
        r_ref = rows[b]

        def row_body(r, c):
            for j in range(D_MODEL // 16):
                sl = pl.ds(j * 16, 16)
                r_ref[r, sl] = r_ref[r, sl] * _SCALE + pe_v[r, sl]
            return c

        pass

    def fire_out(i, b):
        base = (seq0 + i) * SEQ
        pltpu.async_copy(rows[b], out_hbm.at[pl.ds(base, SEQ), :], osem[b])

    def wait_out(i, b):
        base = (seq0 + i) * SEQ
        pltpu.make_async_copy(rows[b], out_hbm.at[pl.ds(base, SEQ), :],
                              osem[b]).wait()

    def stage(i, s, refill=True):
        wait_gather(i, s)
        compute(s)
        fire_out(i, s)
        wait_out(i - 1, (s + _NSLOT - 1) % _NSLOT)
        if refill:
            fire_gather(i + 2, (s + _NSLOT - 1) % _NSLOT)

    for i in range(_NSLOT):
        fire_gather(i, i)
    wait_gather(0, 0)
    compute(0)
    fire_out(0, 0)

    def loop_body(g, c):
        i0 = 1 + _NSLOT * g
        stage(i0, 1)
        stage(i0 + 1, 2)
        stage(i0 + 2, 0)
        return c

    n_triples = (_SEQ_PER_W - 5) // _NSLOT
    lax.fori_loop(0, n_triples, loop_body, 0)
    i = 1 + _NSLOT * n_triples
    stage(i, i % _NSLOT)
    stage(i + 1, (i + 1) % _NSLOT)
    stage(i + 2, (i + 2) % _NSLOT, refill=False)
    stage(i + 3, (i + 3) % _NSLOT, refill=False)
    wait_out(_SEQ_PER_W - 1, (_SEQ_PER_W - 1) % _NSLOT)


@jax.jit
def _embed(x_flat, table, pe):
    mesh = plsc.VectorSubcoreMesh(core_axis_name="c", subcore_axis_name="s")
    f = pl.kernel(
        _body,
        out_type=jax.ShapeDtypeStruct((BATCH * SEQ, D_MODEL), jnp.float32),
        mesh=mesh,
        scratch_types=[
            pltpu.VMEM((_SEQ_PER_W * SEQ,), jnp.int32),
            pltpu.VMEM((SEQ, D_MODEL), jnp.float32),
            pltpu.VMEM((SEQ, D_MODEL), jnp.float32),
            pltpu.VMEM((SEQ, D_MODEL), jnp.float32),
            pltpu.VMEM((SEQ, D_MODEL), jnp.float32),
            pltpu.SemaphoreType.DMA,
            pltpu.SemaphoreType.DMA,
            pltpu.SemaphoreType.DMA,
            pltpu.SemaphoreType.DMA,
            pltpu.SemaphoreType.DMA,
            pltpu.SemaphoreType.DMA,
        ],
        name="input_embedding_sc",
    )
    return f(x_flat, table, pe)


def kernel(x, table):
    x_flat = x.reshape(-1).astype(jnp.int32)
    pe = _sinusoidal_pe_rows(x.shape[1], D_MODEL)
    out = _embed(x_flat, table, pe)
    return out.reshape(x.shape[0], x.shape[1], D_MODEL)

# --- scband reference (transcript-rebuilt; emitter-appended) ---
"""Pipeline reference for scband-input-embedding-66529043415116 (READ-ONLY COPY).

The authoritative reference and input builder live on the scoring server;
editing this copy changes nothing except your own understanding.
"""

import jax, jax.numpy as jnp
import numpy as np
import math

VOCAB = 100000
D_MODEL = 128
MAX_LEN = 256
BATCH = 1024
SEQ = 200


def _sinusoidal_pe(max_len, d_model):
    pos = jnp.arange(max_len, dtype=jnp.float32)[:, None]
    div = jnp.exp(jnp.arange(0, d_model, 2, dtype=jnp.float32) * (-math.log(10000.0) / d_model))
    pe = jnp.zeros((max_len, d_model), dtype=jnp.float32)
    pe = pe.at[:, 0::2].set(jnp.sin(pos * div))
    pe = pe.at[:, 1::2].set(jnp.cos(pos * div))
    return pe


def setup_inputs(seed: int = 0) -> dict:
    key = jax.random.key(seed)
    k1, k2 = jax.random.split(key)
    x = jax.random.randint(k1, (BATCH, SEQ), 0, VOCAB, dtype=jnp.int64 if jax.config.jax_enable_x64 else jnp.int32)
    table = jax.random.normal(k2, (VOCAB, D_MODEL), dtype=jnp.float32)
    return {"x": x, "table": table}


def reference(x, table):
    # token embedding lookup (gather) + scale
    emb = jnp.take(table, x, axis=0) * jnp.sqrt(jnp.float32(D_MODEL))
    # sinusoidal positional encoding (constant, non-learned)
    pe = _sinusoidal_pe(MAX_LEN, D_MODEL)
    out = emb + pe[None, : x.shape[1], :]
    # dropout is identity in eval mode
    return out

if __name__ == "__main__":
    import jax
    _d = setup_inputs()
    print(jax.jit(kernel)(*tuple(_d.values())))

</pallas_src>

<mosaic_0001>
#map = affine_map<(d0, d1) -> (0)>
#map1 = affine_map<(d0, d1) -> (0, 0)>
module attributes {stable_mosaic.version = 14 : i64} {
  func.func @input_embedding_sc(%arg0: i32, %arg1: i32, %arg2: memref<204800xi32, #tpu.memory_space<hbm>>, %arg3: memref<100000x128xf32, #tpu.memory_space<hbm>>, %arg4: memref<200x128xf32, #tpu.memory_space<hbm>>, %arg5: memref<204800x128xf32, #tpu.memory_space<hbm>>, %arg6: memref<6400xi32, #tpu.memory_space<vmem>>, %arg7: memref<200x128xf32, #tpu.memory_space<vmem>>, %arg8: memref<200x128xf32, #tpu.memory_space<vmem>>, %arg9: memref<200x128xf32, #tpu.memory_space<vmem>>, %arg10: memref<200x128xf32, #tpu.memory_space<vmem>>, %arg11: memref<!tpu.dma_semaphore, #tpu.memory_space<semaphore_mem>>, %arg12: memref<!tpu.dma_semaphore, #tpu.memory_space<semaphore_mem>>, %arg13: memref<!tpu.dma_semaphore, #tpu.memory_space<semaphore_mem>>, %arg14: memref<!tpu.dma_semaphore, #tpu.memory_space<semaphore_mem>>, %arg15: memref<!tpu.dma_semaphore, #tpu.memory_space<semaphore_mem>>, %arg16: memref<!tpu.dma_semaphore, #tpu.memory_space<semaphore_mem>>) attributes {dimension_semantics = [#tpu.dimension_semantics<core_parallel>, #tpu.dimension_semantics<subcore_parallel>], iteration_bounds = array<i64: 2, 16>, scalar_prefetch = 0 : i64, scratch_operands = 11 : i64, tpu.core_type = #tpu.core_type<sc_vector_subcore>, window_params = [{transform_indices = #map}, {transform_indices = #map1}, {transform_indices = #map1}, {transform_indices = #map1}]} {
    %mul3A = arith.constant 2 : i32
    %mul3A_0 = arith.muli %arg1, %mul3A : i32
    %add3A = arith.addi %mul3A_0, %arg0 : i32
    %mul3A_1 = arith.constant 32 : i32
    %mul3A_2 = arith.muli %add3A, %mul3A_1 : i32
    %mul3A_3 = arith.constant 200 : i32
    %mul3A_4 = arith.muli %mul3A_2, %mul3A_3 : i32
    "tpu.region"() ({
      %run_scoped3A = tpu.sem_alloc : memref<!tpu.dma_semaphore, #tpu.memory_space<semaphore_mem>>
      %dma_start3A_248 = tpu.memref_slice %arg2[%mul3A_4] : memref<204800xi32, #tpu.memory_space<hbm>> -> memref<6400xi32, #tpu.memory_space<hbm>>
      %dma_start3A_249 = tpu.memref_slice %arg2[%mul3A_4] : memref<204800xi32, #tpu.memory_space<hbm>> -> memref<6400xi32, #tpu.memory_space<hbm>>
      tpu.enqueue_dma source(%dma_start3A_249 : memref<6400xi32, #tpu.memory_space<hbm>>) target(%arg6 : memref<6400xi32, #tpu.memory_space<vmem>>) target_semaphore(%run_scoped3A : memref<!tpu.dma_semaphore, #tpu.memory_space<semaphore_mem>>)
      %dma_wait3A_250 = tpu.memref_slice %arg2[%mul3A_4] : memref<204800xi32, #tpu.memory_space<hbm>> -> memref<6400xi32, #tpu.memory_space<hbm>>
      %dma_wait3A_251 = tpu.memref_slice %arg2[%mul3A_4] : memref<204800xi32, #tpu.memory_space<hbm>> -> memref<6400xi32, #tpu.memory_space<hbm>>
      tpu.wait_dma2 semaphore(%run_scoped3A : memref<!tpu.dma_semaphore, #tpu.memory_space<semaphore_mem>>) src(%dma_wait3A_251 : memref<6400xi32, #tpu.memory_space<hbm>>) dst(%arg6 : memref<6400xi32, #tpu.memory_space<vmem>>)
      tpu.yield
    }) : () -> ()
    "tpu.region"() ({
      %run_scoped3A = tpu.sem_alloc : memref<!tpu.dma_semaphore, #tpu.memory_space<semaphore_mem>>
      tpu.enqueue_dma source(%arg4 : memref<200x128xf32, #tpu.memory_space<hbm>>) target(%arg10 : memref<200x128xf32, #tpu.memory_space<vmem>>) target_semaphore(%run_scoped3A : memref<!tpu.dma_semaphore, #tpu.memory_space<semaphore_mem>>)
      tpu.wait_dma2 semaphore(%run_scoped3A : memref<!tpu.dma_semaphore, #tpu.memory_space<semaphore_mem>>) src(%arg4 : memref<200x128xf32, #tpu.memory_space<hbm>>) dst(%arg10 : memref<200x128xf32, #tpu.memory_space<vmem>>)
      tpu.yield
    }) : () -> ()
    %dma_start3A = arith.constant 0 : i32
    %dma_start3A_5 = arith.constant 0 : i32
    %dma_start3A_6 = tpu.memref_slice %arg7[%dma_start3A, %dma_start3A_5] : memref<200x128xf32, #tpu.memory_space<vmem>> -> memref<104x128xf32, #tpu.memory_space<vmem>>
    %dma_start3A_7 = arith.constant 0 : i32
    %dma_start3A_8 = tpu.memref_slice %arg6[%dma_start3A_7] : memref<6400xi32, #tpu.memory_space<vmem>> -> memref<104xi32, #tpu.memory_space<vmem>>
    %dma_start3A_9 = arith.constant 0 : i32
    %dma_start3A_10 = arith.constant 0 : i32
    %dma_start3A_11 = tpu.memref_slice %arg3[%dma_start3A_9, %dma_start3A_10] : memref<100000x128xf32, #tpu.memory_space<hbm>> -> memref<100000x128xf32, #tpu.memory_space<hbm>>
    tpu.enqueue_indirect_dma source(%dma_start3A_11 : memref<100000x128xf32, #tpu.memory_space<hbm>>) target(%dma_start3A_6 : memref<104x128xf32, #tpu.memory_space<vmem>>) offsets(%dma_start3A_8 : memref<104xi32, #tpu.memory_space<vmem>>) semaphore(%arg11 : memref<!tpu.dma_semaphore, #tpu.memory_space<semaphore_mem>>)
    %dma_start3A_12 = arith.constant 104 : i32
    %dma_start3A_13 = arith.constant 0 : i32
    %dma_start3A_14 = tpu.memref_slice %arg7[%dma_start3A_12, %dma_start3A_13] : memref<200x128xf32, #tpu.memory_space<vmem>> -> memref<96x128xf32, #tpu.memory_space<vmem>>
    %dma_start3A_15 = arith.constant 104 : i32
    %dma_start3A_16 = tpu.memref_slice %arg6[%dma_start3A_15] : memref<6400xi32, #tpu.memory_space<vmem>> -> memref<96xi32, #tpu.memory_space<vmem>>
    %dma_start3A_17 = arith.constant 0 : i32
    %dma_start3A_18 = arith.constant 0 : i32
    %dma_start3A_19 = tpu.memref_slice %arg3[%dma_start3A_17, %dma_start3A_18] : memref<100000x128xf32, #tpu.memory_space<hbm>> -> memref<100000x128xf32, #tpu.memory_space<hbm>>
    tpu.enqueue_indirect_dma source(%dma_start3A_19 : memref<100000x128xf32, #tpu.memory_space<hbm>>) target(%dma_start3A_14 : memref<96x128xf32, #tpu.memory_space<vmem>>) offsets(%dma_start3A_16 : memref<96xi32, #tpu.memory_space<vmem>>) semaphore(%arg11 : memref<!tpu.dma_semaphore, #tpu.memory_space<semaphore_mem>>)
    %dma_start3A_20 = arith.constant 0 : i32
    %dma_start3A_21 = arith.constant 0 : i32
    %dma_start3A_22 = tpu.memref_slice %arg8[%dma_start3A_20, %dma_start3A_21] : memref<200x128xf32, #tpu.memory_space<vmem>> -> memref<104x128xf32, #tpu.memory_space<vmem>>
    %dma_start3A_23 = arith.constant 200 : i32
    %dma_start3A_24 = tpu.memref_slice %arg6[%dma_start3A_23] : memref<6400xi32, #tpu.memory_space<vmem>> -> memref<104xi32, #tpu.memory_space<vmem>>
    %dma_start3A_25 = arith.constant 0 : i32
    %dma_start3A_26 = arith.constant 0 : i32
    %dma_start3A_27 = tpu.memref_slice %arg3[%dma_start3A_25, %dma_start3A_26] : memref<100000x128xf32, #tpu.memory_space<hbm>> -> memref<100000x128xf32, #tpu.memory_space<hbm>>
    tpu.enqueue_indirect_dma source(%dma_start3A_27 : memref<100000x128xf32, #tpu.memory_space<hbm>>) target(%dma_start3A_22 : memref<104x128xf32, #tpu.memory_space<vmem>>) offsets(%dma_start3A_24 : memref<104xi32, #tpu.memory_space<vmem>>) semaphore(%arg12 : memref<!tpu.dma_semaphore, #tpu.memory_space<semaphore_mem>>)
    %dma_start3A_28 = arith.constant 104 : i32
    %dma_start3A_29 = arith.constant 0 : i32
    %dma_start3A_30 = tpu.memref_slice %arg8[%dma_start3A_28, %dma_start3A_29] : memref<200x128xf32, #tpu.memory_space<vmem>> -> memref<96x128xf32, #tpu.memory_space<vmem>>
    %dma_start3A_31 = arith.constant 304 : i32
    %dma_start3A_32 = tpu.memref_slice %arg6[%dma_start3A_31] : memref<6400xi32, #tpu.memory_space<vmem>> -> memref<96xi32, #tpu.memory_space<vmem>>
    %dma_start3A_33 = arith.constant 0 : i32
    %dma_start3A_34 = arith.constant 0 : i32
    %dma_start3A_35 = tpu.memref_slice %arg3[%dma_start3A_33, %dma_start3A_34] : memref<100000x128xf32, #tpu.memory_space<hbm>> -> memref<100000x128xf32, #tpu.memory_space<hbm>>
    tpu.enqueue_indirect_dma source(%dma_start3A_35 : memref<100000x128xf32, #tpu.memory_space<hbm>>) target(%dma_start3A_30 : memref<96x128xf32, #tpu.memory_space<vmem>>) offsets(%dma_start3A_32 : memref<96xi32, #tpu.memory_space<vmem>>) semaphore(%arg12 : memref<!tpu.dma_semaphore, #tpu.memory_space<semaphore_mem>>)
    %dma_start3A_36 = arith.constant 0 : i32
    %dma_start3A_37 = arith.constant 0 : i32
    %dma_start3A_38 = tpu.memref_slice %arg9[%dma_start3A_36, %dma_start3A_37] : memref<200x128xf32, #tpu.memory_space<vmem>> -> memref<104x128xf32, #tpu.memory_space<vmem>>
    %dma_start3A_39 = arith.constant 400 : i32
    %dma_start3A_40 = tpu.memref_slice %arg6[%dma_start3A_39] : memref<6400xi32, #tpu.memory_space<vmem>> -> memref<104xi32, #tpu.memory_space<vmem>>
    %dma_start3A_41 = arith.constant 0 : i32
    %dma_start3A_42 = arith.constant 0 : i32
    %dma_start3A_43 = tpu.memref_slice %arg3[%dma_start3A_41, %dma_start3A_42] : memref<100000x128xf32, #tpu.memory_space<hbm>> -> memref<100000x128xf32, #tpu.memory_space<hbm>>
    tpu.enqueue_indirect_dma source(%dma_start3A_43 : memref<100000x128xf32, #tpu.memory_space<hbm>>) target(%dma_start3A_38 : memref<104x128xf32, #tpu.memory_space<vmem>>) offsets(%dma_start3A_40 : memref<104xi32, #tpu.memory_space<vmem>>) semaphore(%arg13 : memref<!tpu.dma_semaphore, #tpu.memory_space<semaphore_mem>>)
    %dma_start3A_44 = arith.constant 104 : i32
    %dma_start3A_45 = arith.constant 0 : i32
    %dma_start3A_46 = tpu.memref_slice %arg9[%dma_start3A_44, %dma_start3A_45] : memref<200x128xf32, #tpu.memory_space<vmem>> -> memref<96x128xf32, #tpu.memory_space<vmem>>
    %dma_start3A_47 = arith.constant 504 : i32
    %dma_start3A_48 = tpu.memref_slice %arg6[%dma_start3A_47] : memref<6400xi32, #tpu.memory_space<vmem>> -> memref<96xi32, #tpu.memory_space<vmem>>
    %dma_start3A_49 = arith.constant 0 : i32
    %dma_start3A_50 = arith.constant 0 : i32
    %dma_start3A_51 = tpu.memref_slice %arg3[%dma_start3A_49, %dma_start3A_50] : memref<100000x128xf32, #tpu.memory_space<hbm>> -> memref<100000x128xf32, #tpu.memory_space<hbm>>
    tpu.enqueue_indirect_dma source(%dma_start3A_51 : memref<100000x128xf32, #tpu.memory_space<hbm>>) target(%dma_start3A_46 : memref<96x128xf32, #tpu.memory_space<vmem>>) offsets(%dma_start3A_48 : memref<96xi32, #tpu.memory_space<vmem>>) semaphore(%arg13 : memref<!tpu.dma_semaphore, #tpu.memory_space<semaphore_mem>>)
    %dma_wait3A = arith.constant 0 : i32
    %dma_wait3A_52 = arith.constant 0 : i32
    %dma_wait3A_53 = tpu.memref_slice %arg7[%dma_wait3A, %dma_wait3A_52] : memref<200x128xf32, #tpu.memory_space<vmem>> -> memref<104x128xf32, #tpu.memory_space<vmem>>
    %dma_wait3A_54 = arith.constant 0 : i32
    %dma_wait3A_55 = tpu.memref_slice %arg6[%dma_wait3A_54] : memref<6400xi32, #tpu.memory_space<vmem>> -> memref<104xi32, #tpu.memory_space<vmem>>
    %dma_wait3A_56 = arith.constant 0 : i32
    %dma_wait3A_57 = arith.constant 0 : i32
    %dma_wait3A_58 = tpu.memref_slice %arg3[%dma_wait3A_56, %dma_wait3A_57] : memref<100000x128xf32, #tpu.memory_space<hbm>> -> memref<100000x128xf32, #tpu.memory_space<hbm>>
    tpu.wait_indirect_dma semaphore(%arg11 : memref<!tpu.dma_semaphore, #tpu.memory_space<semaphore_mem>>) src(%dma_wait3A_58 : memref<100000x128xf32, #tpu.memory_space<hbm>>) dst(%dma_wait3A_53 : memref<104x128xf32, #tpu.memory_space<vmem>>)
    %dma_wait3A_59 = arith.constant 104 : i32
    %dma_wait3A_60 = arith.constant 0 : i32
    %dma_wait3A_61 = tpu.memref_slice %arg7[%dma_wait3A_59, %dma_wait3A_60] : memref<200x128xf32, #tpu.memory_space<vmem>> -> memref<96x128xf32, #tpu.memory_space<vmem>>
    %dma_wait3A_62 = arith.constant 104 : i32
    %dma_wait3A_63 = tpu.memref_slice %arg6[%dma_wait3A_62] : memref<6400xi32, #tpu.memory_space<vmem>> -> memref<96xi32, #tpu.memory_space<vmem>>
    %dma_wait3A_64 = arith.constant 0 : i32
    %dma_wait3A_65 = arith.constant 0 : i32
    %dma_wait3A_66 = tpu.memref_slice %arg3[%dma_wait3A_64, %dma_wait3A_65] : memref<100000x128xf32, #tpu.memory_space<hbm>> -> memref<100000x128xf32, #tpu.memory_space<hbm>>
    tpu.wait_indirect_dma semaphore(%arg11 : memref<!tpu.dma_semaphore, #tpu.memory_space<semaphore_mem>>) src(%dma_wait3A_66 : memref<100000x128xf32, #tpu.memory_space<hbm>>) dst(%dma_wait3A_61 : memref<96x128xf32, #tpu.memory_space<vmem>>)
    %add3A_67 = arith.constant 0 : i32
    %add3A_68 = arith.addi %mul3A_2, %add3A_67 : i32
    %mul3A_69 = arith.constant 200 : i32
    %mul3A_70 = arith.muli %add3A_68, %mul3A_69 : i32
    %dma_start3A_71 = arith.constant 0 : i32
    %dma_start3A_72 = tpu.memref_slice %arg5[%mul3A_70, %dma_start3A_71] : memref<204800x128xf32, #tpu.memory_space<hbm>> -> memref<200x128xf32, #tpu.memory_space<hbm>>
    %dma_start3A_73 = arith.constant 0 : i32
    %dma_start3A_74 = tpu.memref_slice %arg5[%mul3A_70, %dma_start3A_73] : memref<204800x128xf32, #tpu.memory_space<hbm>> -> memref<200x128xf32, #tpu.memory_space<hbm>>
    tpu.enqueue_dma source(%arg7 : memref<200x128xf32, #tpu.memory_space<vmem>>) target(%dma_start3A_74 : memref<200x128xf32, #tpu.memory_space<hbm>>) target_semaphore(%arg14 : memref<!tpu.dma_semaphore, #tpu.memory_space<semaphore_mem>>)
    %scan3A = arith.constant 0 : i32
    %scan3A_75 = arith.constant 0 : i32
    %scan3A_76 = arith.constant 9 : i32
    %scan3A_77 = arith.addi %scan3A_75, %scan3A_76 : i32
    %scan3A_78 = arith.constant 1 : i32
    scf.for %scan3A_248 = %scan3A_75 to %scan3A_77 step %scan3A_78  : i32 {
      %mul3A_249 = arith.constant 3 : i32
      %mul3A_250 = arith.muli %mul3A_249, %scan3A_248 : i32
      %add3A_251 = arith.constant 1 : i32
      %add3A_252 = arith.addi %add3A_251, %mul3A_250 : i32
      %mul3A_253 = arith.constant 200 : i32
      %mul3A_254 = arith.muli %add3A_252, %mul3A_253 : i32
      %add3A_255 = arith.constant 104 : i32
      %add3A_256 = arith.addi %mul3A_254, %add3A_255 : i32
      %dma_wait3A_257 = arith.constant 0 : i32
      %dma_wait3A_258 = arith.constant 0 : i32
      %dma_wait3A_259 = tpu.memref_slice %arg8[%dma_wait3A_257, %dma_wait3A_258] : memref<200x128xf32, #tpu.memory_space<vmem>> -> memref<104x128xf32, #tpu.memory_space<vmem>>
      %dma_wait3A_260 = tpu.memref_slice %arg6[%mul3A_254] : memref<6400xi32, #tpu.memory_space<vmem>> -> memref<104xi32, #tpu.memory_space<vmem>>
      %dma_wait3A_261 = arith.constant 0 : i32
      %dma_wait3A_262 = arith.constant 0 : i32
      %dma_wait3A_263 = tpu.memref_slice %arg3[%dma_wait3A_261, %dma_wait3A_262] : memref<100000x128xf32, #tpu.memory_space<hbm>> -> memref<100000x128xf32, #tpu.memory_space<hbm>>
      tpu.wait_indirect_dma semaphore(%arg12 : memref<!tpu.dma_semaphore, #tpu.memory_space<semaphore_mem>>) src(%dma_wait3A_263 : memref<100000x128xf32, #tpu.memory_space<hbm>>) dst(%dma_wait3A_259 : memref<104x128xf32, #tpu.memory_space<vmem>>)
      %dma_wait3A_264 = arith.constant 104 : i32
      %dma_wait3A_265 = arith.constant 0 : i32
      %dma_wait3A_266 = tpu.memref_slice %arg8[%dma_wait3A_264, %dma_wait3A_265] : memref<200x128xf32, #tpu.memory_space<vmem>> -> memref<96x128xf32, #tpu.memory_space<vmem>>
      %dma_wait3A_267 = tpu.memref_slice %arg6[%add3A_256] : memref<6400xi32, #tpu.memory_space<vmem>> -> memref<96xi32, #tpu.memory_space<vmem>>
      %dma_wait3A_268 = arith.constant 0 : i32
      %dma_wait3A_269 = arith.constant 0 : i32
      %dma_wait3A_270 = tpu.memref_slice %arg3[%dma_wait3A_268, %dma_wait3A_269] : memref<100000x128xf32, #tpu.memory_space<hbm>> -> memref<100000x128xf32, #tpu.memory_space<hbm>>
      tpu.wait_indirect_dma semaphore(%arg12 : memref<!tpu.dma_semaphore, #tpu.memory_space<semaphore_mem>>) src(%dma_wait3A_270 : memref<100000x128xf32, #tpu.memory_space<hbm>>) dst(%dma_wait3A_266 : memref<96x128xf32, #tpu.memory_space<vmem>>)
      %add3A_271 = arith.addi %mul3A_2, %add3A_252 : i32
      %mul3A_272 = arith.constant 200 : i32
      %mul3A_273 = arith.muli %add3A_271, %mul3A_272 : i32
      %dma_start3A_274 = arith.constant 0 : i32
      %dma_start3A_275 = tpu.memref_slice %arg5[%mul3A_273, %dma_start3A_274] : memref<204800x128xf32, #tpu.memory_space<hbm>> -> memref<200x128xf32, #tpu.memory_space<hbm>>
      %dma_start3A_276 = arith.constant 0 : i32
      %dma_start3A_277 = tpu.memref_slice %arg5[%mul3A_273, %dma_start3A_276] : memref<204800x128xf32, #tpu.memory_space<hbm>> -> memref<200x128xf32, #tpu.memory_space<hbm>>
      tpu.enqueue_dma source(%arg8 : memref<200x128xf32, #tpu.memory_space<vmem>>) target(%dma_start3A_277 : memref<200x128xf32, #tpu.memory_space<hbm>>) target_semaphore(%arg15 : memref<!tpu.dma_semaphore, #tpu.memory_space<semaphore_mem>>)
      %sub3A = arith.constant 1 : i32
      %sub3A_278 = arith.subi %add3A_252, %sub3A : i32
      %add3A_279 = arith.addi %mul3A_2, %sub3A_278 : i32
      %mul3A_280 = arith.constant 200 : i32
      %mul3A_281 = arith.muli %add3A_279, %mul3A_280 : i32
      %dma_wait3A_282 = arith.constant 0 : i32
      %dma_wait3A_283 = tpu.memref_slice %arg5[%mul3A_281, %dma_wait3A_282] : memref<204800x128xf32, #tpu.memory_space<hbm>> -> memref<200x128xf32, #tpu.memory_space<hbm>>
      %dma_wait3A_284 = arith.constant 0 : i32
      %dma_wait3A_285 = tpu.memref_slice %arg5[%mul3A_281, %dma_wait3A_284] : memref<204800x128xf32, #tpu.memory_space<hbm>> -> memref<200x128xf32, #tpu.memory_space<hbm>>
      tpu.wait_dma2 semaphore(%arg14 : memref<!tpu.dma_semaphore, #tpu.memory_space<semaphore_mem>>) src(%arg7 : memref<200x128xf32, #tpu.memory_space<vmem>>) dst(%dma_wait3A_285 : memref<200x128xf32, #tpu.memory_space<hbm>>)
      %add3A_286 = arith.constant 2 : i32
      %add3A_287 = arith.addi %add3A_252, %add3A_286 : i32
      %mul3A_288 = arith.constant 200 : i32
      %mul3A_289 = arith.muli %add3A_287, %mul3A_288 : i32
      %add3A_290 = arith.constant 104 : i32
      %add3A_291 = arith.addi %mul3A_289, %add3A_290 : i32
      %dma_start3A_292 = arith.constant 0 : i32
      %dma_start3A_293 = arith.constant 0 : i32
      %dma_start3A_294 = tpu.memref_slice %arg7[%dma_start3A_292, %dma_start3A_293] : memref<200x128xf32, #tpu.memory_space<vmem>> -> memref<104x128xf32, #tpu.memory_space<vmem>>
      %dma_start3A_295 = tpu.memref_slice %arg6[%mul3A_289] : memref<6400xi32, #tpu.memory_space<vmem>> -> memref<104xi32, #tpu.memory_space<vmem>>
      %dma_start3A_296 = arith.constant 0 : i32
      %dma_start3A_297 = arith.constant 0 : i32
      %dma_start3A_298 = tpu.memref_slice %arg3[%dma_start3A_296, %dma_start3A_297] : memref<100000x128xf32, #tpu.memory_space<hbm>> -> memref<100000x128xf32, #tpu.memory_space<hbm>>
      tpu.enqueue_indirect_dma source(%dma_start3A_298 : memref<100000x128xf32, #tpu.memory_space<hbm>>) target(%dma_start3A_294 : memref<104x128xf32, #tpu.memory_space<vmem>>) offsets(%dma_start3A_295 : memref<104xi32, #tpu.memory_space<vmem>>) semaphore(%arg11 : memref<!tpu.dma_semaphore, #tpu.memory_space<semaphore_mem>>)
      %dma_start3A_299 = arith.constant 104 : i32
      %dma_start3A_300 = arith.constant 0 : i32
      %dma_start3A_301 = tpu.memref_slice %arg7[%dma_start3A_299, %dma_start3A_300] : memref<200x128xf32, #tpu.memory_space<vmem>> -> memref<96x128xf32, #tpu.memory_space<vmem>>
      %dma_start3A_302 = tpu.memref_slice %arg6[%add3A_291] : memref<6400xi32, #tpu.memory_space<vmem>> -> memref<96xi32, #tpu.memory_space<vmem>>
      %dma_start3A_303 = arith.constant 0 : i32
      %dma_start3A_304 = arith.constant 0 : i32
      %dma_start3A_305 = tpu.memref_slice %arg3[%dma_start3A_303, %dma_start3A_304] : memref<100000x128xf32, #tpu.memory_space<hbm>> -> memref<100000x128xf32, #tpu.memory_space<hbm>>
      tpu.enqueue_indirect_dma source(%dma_start3A_305 : memref<100000x128xf32, #tpu.memory_space<hbm>>) target(%dma_start3A_301 : memref<96x128xf32, #tpu.memory_space<vmem>>) offsets(%dma_start3A_302 : memref<96xi32, #tpu.memory_space<vmem>>) semaphore(%arg11 : memref<!tpu.dma_semaphore, #tpu.memory_space<semaphore_mem>>)
      %add3A_306 = arith.constant 1 : i32
      %add3A_307 = arith.addi %add3A_252, %add3A_306 : i32
      %mul3A_308 = arith.constant 200 : i32
      %mul3A_309 = arith.muli %add3A_307, %mul3A_308 : i32
      %add3A_310 = arith.constant 104 : i32
      %add3A_311 = arith.addi %mul3A_309, %add3A_310 : i32
      %dma_wait3A_312 = arith.constant 0 : i32
      %dma_wait3A_313 = arith.constant 0 : i32
      %dma_wait3A_314 = tpu.memref_slice %arg9[%dma_wait3A_312, %dma_wait3A_313] : memref<200x128xf32, #tpu.memory_space<vmem>> -> memref<104x128xf32, #tpu.memory_space<vmem>>
      %dma_wait3A_315 = tpu.memref_slice %arg6[%mul3A_309] : memref<6400xi32, #tpu.memory_space<vmem>> -> memref<104xi32, #tpu.memory_space<vmem>>
      %dma_wait3A_316 = arith.constant 0 : i32
      %dma_wait3A_317 = arith.constant 0 : i32
      %dma_wait3A_318 = tpu.memref_slice %arg3[%dma_wait3A_316, %dma_wait3A_317] : memref<100000x128xf32, #tpu.memory_space<hbm>> -> memref<100000x128xf32, #tpu.memory_space<hbm>>
      tpu.wait_indirect_dma semaphore(%arg13 : memref<!tpu.dma_semaphore, #tpu.memory_space<semaphore_mem>>) src(%dma_wait3A_318 : memref<100000x128xf32, #tpu.memory_space<hbm>>) dst(%dma_wait3A_314 : memref<104x128xf32, #tpu.memory_space<vmem>>)
      %dma_wait3A_319 = arith.constant 104 : i32
      %dma_wait3A_320 = arith.constant 0 : i32
      %dma_wait3A_321 = tpu.memref_slice %arg9[%dma_wait3A_319, %dma_wait3A_320] : memref<200x128xf32, #tpu.memory_space<vmem>> -> memref<96x128xf32, #tpu.memory_space<vmem>>
      %dma_wait3A_322 = tpu.memref_slice %arg6[%add3A_311] : memref<6400xi32, #tpu.memory_space<vmem>> -> memref<96xi32, #tpu.memory_space<vmem>>
      %dma_wait3A_323 = arith.constant 0 : i32
      %dma_wait3A_324 = arith.constant 0 : i32
      %dma_wait3A_325 = tpu.memref_slice %arg3[%dma_wait3A_323, %dma_wait3A_324] : memref<100000x128xf32, #tpu.memory_space<hbm>> -> memref<100000x128xf32, #tpu.memory_space<hbm>>
      tpu.wait_indirect_dma semaphore(%arg13 : memref<!tpu.dma_semaphore, #tpu.memory_space<semaphore_mem>>) src(%dma_wait3A_325 : memref<100000x128xf32, #tpu.memory_space<hbm>>) dst(%dma_wait3A_321 : memref<96x128xf32, #tpu.memory_space<vmem>>)
      %add3A_326 = arith.addi %mul3A_2, %add3A_307 : i32
      %mul3A_327 = arith.constant 200 : i32
      %mul3A_328 = arith.muli %add3A_326, %mul3A_327 : i32
      %dma_start3A_329 = arith.constant 0 : i32
      %dma_start3A_330 = tpu.memref_slice %arg5[%mul3A_328, %dma_start3A_329] : memref<204800x128xf32, #tpu.memory_space<hbm>> -> memref<200x128xf32, #tpu.memory_space<hbm>>
      %dma_start3A_331 = arith.constant 0 : i32
      %dma_start3A_332 = tpu.memref_slice %arg5[%mul3A_328, %dma_start3A_331] : memref<204800x128xf32, #tpu.memory_space<hbm>> -> memref<200x128xf32, #tpu.memory_space<hbm>>
      tpu.enqueue_dma source(%arg9 : memref<200x128xf32, #tpu.memory_space<vmem>>) target(%dma_start3A_332 : memref<200x128xf32, #tpu.memory_space<hbm>>) target_semaphore(%arg16 : memref<!tpu.dma_semaphore, #tpu.memory_space<semaphore_mem>>)
      %sub3A_333 = arith.constant 1 : i32
      %sub3A_334 = arith.subi %add3A_307, %sub3A_333 : i32
      %add3A_335 = arith.addi %mul3A_2, %sub3A_334 : i32
      %mul3A_336 = arith.constant 200 : i32
      %mul3A_337 = arith.muli %add3A_335, %mul3A_336 : i32
      %dma_wait3A_338 = arith.constant 0 : i32
      %dma_wait3A_339 = tpu.memref_slice %arg5[%mul3A_337, %dma_wait3A_338] : memref<204800x128xf32, #tpu.memory_space<hbm>> -> memref<200x128xf32, #tpu.memory_space<hbm>>
      %dma_wait3A_340 = arith.constant 0 : i32
      %dma_wait3A_341 = tpu.memref_slice %arg5[%mul3A_337, %dma_wait3A_340] : memref<204800x128xf32, #tpu.memory_space<hbm>> -> memref<200x128xf32, #tpu.memory_space<hbm>>
      tpu.wait_dma2 semaphore(%arg15 : memref<!tpu.dma_semaphore, #tpu.memory_space<semaphore_mem>>) src(%arg8 : memref<200x128xf32, #tpu.memory_space<vmem>>) dst(%dma_wait3A_341 : memref<200x128xf32, #tpu.memory_space<hbm>>)
      %add3A_342 = arith.constant 2 : i32
      %add3A_343 = arith.addi %add3A_307, %add3A_342 : i32
      %mul3A_344 = arith.constant 200 : i32
      %mul3A_345 = arith.muli %add3A_343, %mul3A_344 : i32
      %add3A_346 = arith.constant 104 : i32
      %add3A_347 = arith.addi %mul3A_345, %add3A_346 : i32
      %dma_start3A_348 = arith.constant 0 : i32
      %dma_start3A_349 = arith.constant 0 : i32
      %dma_start3A_350 = tpu.memref_slice %arg8[%dma_start3A_348, %dma_start3A_349] : memref<200x128xf32, #tpu.memory_space<vmem>> -> memref<104x128xf32, #tpu.memory_space<vmem>>
      %dma_start3A_351 = tpu.memref_slice %arg6[%mul3A_345] : memref<6400xi32, #tpu.memory_space<vmem>> -> memref<104xi32, #tpu.memory_space<vmem>>
      %dma_start3A_352 = arith.constant 0 : i32
      %dma_start3A_353 = arith.constant 0 : i32
      %dma_start3A_354 = tpu.memref_slice %arg3[%dma_start3A_352, %dma_start3A_353] : memref<100000x128xf32, #tpu.memory_space<hbm>> -> memref<100000x128xf32, #tpu.memory_space<hbm>>
      tpu.enqueue_indirect_dma source(%dma_start3A_354 : memref<100000x128xf32, #tpu.memory_space<hbm>>) target(%dma_start3A_350 : memref<104x128xf32, #tpu.memory_space<vmem>>) offsets(%dma_start3A_351 : memref<104xi32, #tpu.memory_space<vmem>>) semaphore(%arg12 : memref<!tpu.dma_semaphore, #tpu.memory_space<semaphore_mem>>)
      %dma_start3A_355 = arith.constant 104 : i32
      %dma_start3A_356 = arith.constant 0 : i32
      %dma_start3A_357 = tpu.memref_slice %arg8[%dma_start3A_355, %dma_start3A_356] : memref<200x128xf32, #tpu.memory_space<vmem>> -> memref<96x128xf32, #tpu.memory_space<vmem>>
      %dma_start3A_358 = tpu.memref_slice %arg6[%add3A_347] : memref<6400xi32, #tpu.memory_space<vmem>> -> memref<96xi32, #tpu.memory_space<vmem>>
      %dma_start3A_359 = arith.constant 0 : i32
      %dma_start3A_360 = arith.constant 0 : i32
      %dma_start3A_361 = tpu.memref_slice %arg3[%dma_start3A_359, %dma_start3A_360] : memref<100000x128xf32, #tpu.memory_space<hbm>> -> memref<100000x128xf32, #tpu.memory_space<hbm>>
      tpu.enqueue_indirect_dma source(%dma_start3A_361 : memref<100000x128xf32, #tpu.memory_space<hbm>>) target(%dma_start3A_357 : memref<96x128xf32, #tpu.memory_space<vmem>>) offsets(%dma_start3A_358 : memref<96xi32, #tpu.memory_space<vmem>>) semaphore(%arg12 : memref<!tpu.dma_semaphore, #tpu.memory_space<semaphore_mem>>)
      %add3A_362 = arith.constant 2 : i32
      %add3A_363 = arith.addi %add3A_252, %add3A_362 : i32
      %mul3A_364 = arith.constant 200 : i32
      %mul3A_365 = arith.muli %add3A_363, %mul3A_364 : i32
      %add3A_366 = arith.constant 104 : i32
      %add3A_367 = arith.addi %mul3A_365, %add3A_366 : i32
      %dma_wait3A_368 = arith.constant 0 : i32
      %dma_wait3A_369 = arith.constant 0 : i32
      %dma_wait3A_370 = tpu.memref_slice %arg7[%dma_wait3A_368, %dma_wait3A_369] : memref<200x128xf32, #tpu.memory_space<vmem>> -> memref<104x128xf32, #tpu.memory_space<vmem>>
      %dma_wait3A_371 = tpu.memref_slice %arg6[%mul3A_365] : memref<6400xi32, #tpu.memory_space<vmem>> -> memref<104xi32, #tpu.memory_space<vmem>>
      %dma_wait3A_372 = arith.constant 0 : i32
      %dma_wait3A_373 = arith.constant 0 : i32
      %dma_wait3A_374 = tpu.memref_slice %arg3[%dma_wait3A_372, %dma_wait3A_373] : memref<100000x128xf32, #tpu.memory_space<hbm>> -> memref<100000x128xf32, #tpu.memory_space<hbm>>
      tpu.wait_indirect_dma semaphore(%arg11 : memref<!tpu.dma_semaphore, #tpu.memory_space<semaphore_mem>>) src(%dma_wait3A_374 : memref<100000x128xf32, #tpu.memory_space<hbm>>) dst(%dma_wait3A_370 : memref<104x128xf32, #tpu.memory_space<vmem>>)
      %dma_wait3A_375 = arith.constant 104 : i32
      %dma_wait3A_376 = arith.constant 0 : i32
      %dma_wait3A_377 = tpu.memref_slice %arg7[%dma_wait3A_375, %dma_wait3A_376] : memref<200x128xf32, #tpu.memory_space<vmem>> -> memref<96x128xf32, #tpu.memory_space<vmem>>
      %dma_wait3A_378 = tpu.memref_slice %arg6[%add3A_367] : memref<6400xi32, #tpu.memory_space<vmem>> -> memref<96xi32, #tpu.memory_space<vmem>>
      %dma_wait3A_379 = arith.constant 0 : i32
      %dma_wait3A_380 = arith.constant 0 : i32
      %dma_wait3A_381 = tpu.memref_slice %arg3[%dma_wait3A_379, %dma_wait3A_380] : memref<100000x128xf32, #tpu.memory_space<hbm>> -> memref<100000x128xf32, #tpu.memory_space<hbm>>
      tpu.wait_indirect_dma semaphore(%arg11 : memref<!tpu.dma_semaphore, #tpu.memory_space<semaphore_mem>>) src(%dma_wait3A_381 : memref<100000x128xf32, #tpu.memory_space<hbm>>) dst(%dma_wait3A_377 : memref<96x128xf32, #tpu.memory_space<vmem>>)
      %add3A_382 = arith.addi %mul3A_2, %add3A_363 : i32
      %mul3A_383 = arith.constant 200 : i32
      %mul3A_384 = arith.muli %add3A_382, %mul3A_383 : i32
      %dma_start3A_385 = arith.constant 0 : i32
      %dma_start3A_386 = tpu.memref_slice %arg5[%mul3A_384, %dma_start3A_385] : memref<204800x128xf32, #tpu.memory_space<hbm>> -> memref<200x128xf32, #tpu.memory_space<hbm>>
      %dma_start3A_387 = arith.constant 0 : i32
      %dma_start3A_388 = tpu.memref_slice %arg5[%mul3A_384, %dma_start3A_387] : memref<204800x128xf32, #tpu.memory_space<hbm>> -> memref<200x128xf32, #tpu.memory_space<hbm>>
      tpu.enqueue_dma source(%arg7 : memref<200x128xf32, #tpu.memory_space<vmem>>) target(%dma_start3A_388 : memref<200x128xf32, #tpu.memory_space<hbm>>) target_semaphore(%arg14 : memref<!tpu.dma_semaphore, #tpu.memory_space<semaphore_mem>>)
      %sub3A_389 = arith.constant 1 : i32
      %sub3A_390 = arith.subi %add3A_363, %sub3A_389 : i32
      %add3A_391 = arith.addi %mul3A_2, %sub3A_390 : i32
      %mul3A_392 = arith.constant 200 : i32
      %mul3A_393 = arith.muli %add3A_391, %mul3A_392 : i32
      %dma_wait3A_394 = arith.constant 0 : i32
      %dma_wait3A_395 = tpu.memref_slice %arg5[%mul3A_393, %dma_wait3A_394] : memref<204800x128xf32, #tpu.memory_space<hbm>> -> memref<200x128xf32, #tpu.memory_space<hbm>>
      %dma_wait3A_396 = arith.constant 0 : i32
      %dma_wait3A_397 = tpu.memref_slice %arg5[%mul3A_393, %dma_wait3A_396] : memref<204800x128xf32, #tpu.memory_space<hbm>> -> memref<200x128xf32, #tpu.memory_space<hbm>>
      tpu.wait_dma2 semaphore(%arg16 : memref<!tpu.dma_semaphore, #tpu.memory_space<semaphore_mem>>) src(%arg9 : memref<200x128xf32, #tpu.memory_space<vmem>>) dst(%dma_wait3A_397 : memref<200x128xf32, #tpu.memory_space<hbm>>)
      %add3A_398 = arith.constant 2 : i32
      %add3A_399 = arith.addi %add3A_363, %add3A_398 : i32
      %mul3A_400 = arith.constant 200 : i32
      %mul3A_401 = arith.muli %add3A_399, %mul3A_400 : i32
      %add3A_402 = arith.constant 104 : i32
      %add3A_403 = arith.addi %mul3A_401, %add3A_402 : i32
      %dma_start3A_404 = arith.constant 0 : i32
      %dma_start3A_405 = arith.constant 0 : i32
      %dma_start3A_406 = tpu.memref_slice %arg9[%dma_start3A_404, %dma_start3A_405] : memref<200x128xf32, #tpu.memory_space<vmem>> -> memref<104x128xf32, #tpu.memory_space<vmem>>
      %dma_start3A_407 = tpu.memref_slice %arg6[%mul3A_401] : memref<6400xi32, #tpu.memory_space<vmem>> -> memref<104xi32, #tpu.memory_space<vmem>>
      %dma_start3A_408 = arith.constant 0 : i32
      %dma_start3A_409 = arith.constant 0 : i32
      %dma_start3A_410 = tpu.memref_slice %arg3[%dma_start3A_408, %dma_start3A_409] : memref<100000x128xf32, #tpu.memory_space<hbm>> -> memref<100000x128xf32, #tpu.memory_space<hbm>>
      tpu.enqueue_indirect_dma source(%dma_start3A_410 : memref<100000x128xf32, #tpu.memory_space<hbm>>) target(%dma_start3A_406 : memref<104x128xf32, #tpu.memory_space<vmem>>) offsets(%dma_start3A_407 : memref<104xi32, #tpu.memory_space<vmem>>) semaphore(%arg13 : memref<!tpu.dma_semaphore, #tpu.memory_space<semaphore_mem>>)
      %dma_start3A_411 = arith.constant 104 : i32
      %dma_start3A_412 = arith.constant 0 : i32
      %dma_start3A_413 = tpu.memref_slice %arg9[%dma_start3A_411, %dma_start3A_412] : memref<200x128xf32, #tpu.memory_space<vmem>> -> memref<96x128xf32, #tpu.memory_space<vmem>>
      %dma_start3A_414 = tpu.memref_slice %arg6[%add3A_403] : memref<6400xi32, #tpu.memory_space<vmem>> -> memref<96xi32, #tpu.memory_space<vmem>>
      %dma_start3A_415 = arith.constant 0 : i32
      %dma_start3A_416 = arith.constant 0 : i32
      %dma_start3A_417 = tpu.memref_slice %arg3[%dma_start3A_415, %dma_start3A_416] : memref<100000x128xf32, #tpu.memory_space<hbm>> -> memref<100000x128xf32, #tpu.memory_space<hbm>>
      tpu.enqueue_indirect_dma source(%dma_start3A_417 : memref<100000x128xf32, #tpu.memory_space<hbm>>) target(%dma_start3A_413 : memref<96x128xf32, #tpu.memory_space<vmem>>) offsets(%dma_start3A_414 : memref<96xi32, #tpu.memory_space<vmem>>) semaphore(%arg13 : memref<!tpu.dma_semaphore, #tpu.memory_space<semaphore_mem>>)
    }
    %scan3A_79 = arith.constant 9 : i32
    %dma_wait3A_80 = arith.constant 0 : i32
    %dma_wait3A_81 = arith.constant 0 : i32
    %dma_wait3A_82 = tpu.memref_slice %arg8[%dma_wait3A_80, %dma_wait3A_81] : memref<200x128xf32, #tpu.memory_space<vmem>> -> memref<104x128xf32, #tpu.memory_space<vmem>>
    %dma_wait3A_83 = arith.constant 5600 : i32
    %dma_wait3A_84 = tpu.memref_slice %arg6[%dma_wait3A_83] : memref<6400xi32, #tpu.memory_space<vmem>> -> memref<104xi32, #tpu.memory_space<vmem>>
    %dma_wait3A_85 = arith.constant 0 : i32
    %dma_wait3A_86 = arith.constant 0 : i32
    %dma_wait3A_87 = tpu.memref_slice %arg3[%dma_wait3A_85, %dma_wait3A_86] : memref<100000x128xf32, #tpu.memory_space<hbm>> -> memref<100000x128xf32, #tpu.memory_space<hbm>>
    tpu.wait_indirect_dma semaphore(%arg12 : memref<!tpu.dma_semaphore, #tpu.memory_space<semaphore_mem>>) src(%dma_wait3A_87 : memref<100000x128xf32, #tpu.memory_space<hbm>>) dst(%dma_wait3A_82 : memref<104x128xf32, #tpu.memory_space<vmem>>)
    %dma_wait3A_88 = arith.constant 104 : i32
    %dma_wait3A_89 = arith.constant 0 : i32
    %dma_wait3A_90 = tpu.memref_slice %arg8[%dma_wait3A_88, %dma_wait3A_89] : memref<200x128xf32, #tpu.memory_space<vmem>> -> memref<96x128xf32, #tpu.memory_space<vmem>>
    %dma_wait3A_91 = arith.constant 5704 : i32
    %dma_wait3A_92 = tpu.memref_slice %arg6[%dma_wait3A_91] : memref<6400xi32, #tpu.memory_space<vmem>> -> memref<96xi32, #tpu.memory_space<vmem>>
    %dma_wait3A_93 = arith.constant 0 : i32
    %dma_wait3A_94 = arith.constant 0 : i32
    %dma_wait3A_95 = tpu.memref_slice %arg3[%dma_wait3A_93, %dma_wait3A_94] : memref<100000x128xf32, #tpu.memory_space<hbm>> -> memref<100000x128xf32, #tpu.memory_space<hbm>>
    tpu.wait_indirect_dma semaphore(%arg12 : memref<!tpu.dma_semaphore, #tpu.memory_space<semaphore_mem>>) src(%dma_wait3A_95 : memref<100000x128xf32, #tpu.memory_space<hbm>>) dst(%dma_wait3A_90 : memref<96x128xf32, #tpu.memory_space<vmem>>)
    %add3A_96 = arith.constant 28 : i32
    %add3A_97 = arith.addi %mul3A_2, %add3A_96 : i32
    %mul3A_98 = arith.constant 200 : i32
    %mul3A_99 = arith.muli %add3A_97, %mul3A_98 : i32
    %dma_start3A_100 = arith.constant 0 : i32
    %dma_start3A_101 = tpu.memref_slice %arg5[%mul3A_99, %dma_start3A_100] : memref<204800x128xf32, #tpu.memory_space<hbm>> -> memref<200x128xf32, #tpu.memory_space<hbm>>
    %dma_start3A_102 = arith.constant 0 : i32
    %dma_start3A_103 = tpu.memref_slice %arg5[%mul3A_99, %dma_start3A_102] : memref<204800x128xf32, #tpu.memory_space<hbm>> -> memref<200x128xf32, #tpu.memory_space<hbm>>
    tpu.enqueue_dma source(%arg8 : memref<200x128xf32, #tpu.memory_space<vmem>>) target(%dma_start3A_103 : memref<200x128xf32, #tpu.memory_space<hbm>>) target_semaphore(%arg15 : memref<!tpu.dma_semaphore, #tpu.memory_space<semaphore_mem>>)
    %add3A_104 = arith.constant 27 : i32
    %add3A_105 = arith.addi %mul3A_2, %add3A_104 : i32
    %mul3A_106 = arith.constant 200 : i32
    %mul3A_107 = arith.muli %add3A_105, %mul3A_106 : i32
    %dma_wait3A_108 = arith.constant 0 : i32
    %dma_wait3A_109 = tpu.memref_slice %arg5[%mul3A_107, %dma_wait3A_108] : memref<204800x128xf32, #tpu.memory_space<hbm>> -> memref<200x128xf32, #tpu.memory_space<hbm>>
    %dma_wait3A_110 = arith.constant 0 : i32
    %dma_wait3A_111 = tpu.memref_slice %arg5[%mul3A_107, %dma_wait3A_110] : memref<204800x128xf32, #tpu.memory_space<hbm>> -> memref<200x128xf32, #tpu.memory_space<hbm>>
    tpu.wait_dma2 semaphore(%arg14 : memref<!tpu.dma_semaphore, #tpu.memory_space<semaphore_mem>>) src(%arg7 : memref<200x128xf32, #tpu.memory_space<vmem>>) dst(%dma_wait3A_111 : memref<200x128xf32, #tpu.memory_space<hbm>>)
    %dma_start3A_112 = arith.constant 0 : i32
    %dma_start3A_113 = arith.constant 0 : i32
    %dma_start3A_114 = tpu.memref_slice %arg7[%dma_start3A_112, %dma_start3A_113] : memref<200x128xf32, #tpu.memory_space<vmem>> -> memref<104x128xf32, #tpu.memory_space<vmem>>
    %dma_start3A_115 = arith.constant 6000 : i32
    %dma_start3A_116 = tpu.memref_slice %arg6[%dma_start3A_115] : memref<6400xi32, #tpu.memory_space<vmem>> -> memref<104xi32, #tpu.memory_space<vmem>>
    %dma_start3A_117 = arith.constant 0 : i32
    %dma_start3A_118 = arith.constant 0 : i32
    %dma_start3A_119 = tpu.memref_slice %arg3[%dma_start3A_117, %dma_start3A_118] : memref<100000x128xf32, #tpu.memory_space<hbm>> -> memref<100000x128xf32, #tpu.memory_space<hbm>>
    tpu.enqueue_indirect_dma source(%dma_start3A_119 : memref<100000x128xf32, #tpu.memory_space<hbm>>) target(%dma_start3A_114 : memref<104x128xf32, #tpu.memory_space<vmem>>) offsets(%dma_start3A_116 : memref<104xi32, #tpu.memory_space<vmem>>) semaphore(%arg11 : memref<!tpu.dma_semaphore, #tpu.memory_space<semaphore_mem>>)
    %dma_start3A_120 = arith.constant 104 : i32
    %dma_start3A_121 = arith.constant 0 : i32
    %dma_start3A_122 = tpu.memref_slice %arg7[%dma_start3A_120, %dma_start3A_121] : memref<200x128xf32, #tpu.memory_space<vmem>> -> memref<96x128xf32, #tpu.memory_space<vmem>>
    %dma_start3A_123 = arith.constant 6104 : i32
    %dma_start3A_124 = tpu.memref_slice %arg6[%dma_start3A_123] : memref<6400xi32, #tpu.memory_space<vmem>> -> memref<96xi32, #tpu.memory_space<vmem>>
    %dma_start3A_125 = arith.constant 0 : i32
    %dma_start3A_126 = arith.constant 0 : i32
    %dma_start3A_127 = tpu.memref_slice %arg3[%dma_start3A_125, %dma_start3A_126] : memref<100000x128xf32, #tpu.memory_space<hbm>> -> memref<100000x128xf32, #tpu.memory_space<hbm>>
    tpu.enqueue_indirect_dma source(%dma_start3A_127 : memref<100000x128xf32, #tpu.memory_space<hbm>>) target(%dma_start3A_122 : memref<96x128xf32, #tpu.memory_space<vmem>>) offsets(%dma_start3A_124 : memref<96xi32, #tpu.memory_space<vmem>>) semaphore(%arg11 : memref<!tpu.dma_semaphore, #tpu.memory_space<semaphore_mem>>)
    %dma_wait3A_128 = arith.constant 0 : i32
    %dma_wait3A_129 = arith.constant 0 : i32
    %dma_wait3A_130 = tpu.memref_slice %arg9[%dma_wait3A_128, %dma_wait3A_129] : memref<200x128xf32, #tpu.memory_space<vmem>> -> memref<104x128xf32, #tpu.memory_space<vmem>>
    %dma_wait3A_131 = arith.constant 5800 : i32
    %dma_wait3A_132 = tpu.memref_slice %arg6[%dma_wait3A_131] : memref<6400xi32, #tpu.memory_space<vmem>> -> memref<104xi32, #tpu.memory_space<vmem>>
    %dma_wait3A_133 = arith.constant 0 : i32
    %dma_wait3A_134 = arith.constant 0 : i32
    %dma_wait3A_135 = tpu.memref_slice %arg3[%dma_wait3A_133, %dma_wait3A_134] : memref<100000x128xf32, #tpu.memory_space<hbm>> -> memref<100000x128xf32, #tpu.memory_space<hbm>>
    tpu.wait_indirect_dma semaphore(%arg13 : memref<!tpu.dma_semaphore, #tpu.memory_space<semaphore_mem>>) src(%dma_wait3A_135 : memref<100000x128xf32, #tpu.memory_space<hbm>>) dst(%dma_wait3A_130 : memref<104x128xf32, #tpu.memory_space<vmem>>)
    %dma_wait3A_136 = arith.constant 104 : i32
    %dma_wait3A_137 = arith.constant 0 : i32
    %dma_wait3A_138 = tpu.memref_slice %arg9[%dma_wait3A_136, %dma_wait3A_137] : memref<200x128xf32, #tpu.memory_space<vmem>> -> memref<96x128xf32, #tpu.memory_space<vmem>>
    %dma_wait3A_139 = arith.constant 5904 : i32
    %dma_wait3A_140 = tpu.memref_slice %arg6[%dma_wait3A_139] : memref<6400xi32, #tpu.memory_space<vmem>> -> memref<96xi32, #tpu.memory_space<vmem>>
    %dma_wait3A_141 = arith.constant 0 : i32
    %dma_wait3A_142 = arith.constant 0 : i32
    %dma_wait3A_143 = tpu.memref_slice %arg3[%dma_wait3A_141, %dma_wait3A_142] : memref<100000x128xf32, #tpu.memory_space<hbm>> -> memref<100000x128xf32, #tpu.memory_space<hbm>>
    tpu.wait_indirect_dma semaphore(%arg13 : memref<!tpu.dma_semaphore, #tpu.memory_space<semaphore_mem>>) src(%dma_wait3A_143 : memref<100000x128xf32, #tpu.memory_space<hbm>>) dst(%dma_wait3A_138 : memref<96x128xf32, #tpu.memory_space<vmem>>)
    %add3A_144 = arith.constant 29 : i32
    %add3A_145 = arith.addi %mul3A_2, %add3A_144 : i32
    %mul3A_146 = arith.constant 200 : i32
    %mul3A_147 = arith.muli %add3A_145, %mul3A_146 : i32
    %dma_start3A_148 = arith.constant 0 : i32
    %dma_start3A_149 = tpu.memref_slice %arg5[%mul3A_147, %dma_start3A_148] : memref<204800x128xf32, #tpu.memory_space<hbm>> -> memref<200x128xf32, #tpu.memory_space<hbm>>
    %dma_start3A_150 = arith.constant 0 : i32
    %dma_start3A_151 = tpu.memref_slice %arg5[%mul3A_147, %dma_start3A_150] : memref<204800x128xf32, #tpu.memory_space<hbm>> -> memref<200x128xf32, #tpu.memory_space<hbm>>
    tpu.enqueue_dma source(%arg9 : memref<200x128xf32, #tpu.memory_space<vmem>>) target(%dma_start3A_151 : memref<200x128xf32, #tpu.memory_space<hbm>>) target_semaphore(%arg16 : memref<!tpu.dma_semaphore, #tpu.memory_space<semaphore_mem>>)
    %add3A_152 = arith.constant 28 : i32
    %add3A_153 = arith.addi %mul3A_2, %add3A_152 : i32
    %mul3A_154 = arith.constant 200 : i32
    %mul3A_155 = arith.muli %add3A_153, %mul3A_154 : i32
    %dma_wait3A_156 = arith.constant 0 : i32
    %dma_wait3A_157 = tpu.memref_slice %arg5[%mul3A_155, %dma_wait3A_156] : memref<204800x128xf32, #tpu.memory_space<hbm>> -> memref<200x128xf32, #tpu.memory_space<hbm>>
    %dma_wait3A_158 = arith.constant 0 : i32
    %dma_wait3A_159 = tpu.memref_slice %arg5[%mul3A_155, %dma_wait3A_158] : memref<204800x128xf32, #tpu.memory_space<hbm>> -> memref<200x128xf32, #tpu.memory_space<hbm>>
    tpu.wait_dma2 semaphore(%arg15 : memref<!tpu.dma_semaphore, #tpu.memory_space<semaphore_mem>>) src(%arg8 : memref<200x128xf32, #tpu.memory_space<vmem>>) dst(%dma_wait3A_159 : memref<200x128xf32, #tpu.memory_space<hbm>>)
    %dma_start3A_160 = arith.constant 0 : i32
    %dma_start3A_161 = arith.constant 0 : i32
    %dma_start3A_162 = tpu.memref_slice %arg8[%dma_start3A_160, %dma_start3A_161] : memref<200x128xf32, #tpu.memory_space<vmem>> -> memref<104x128xf32, #tpu.memory_space<vmem>>
    %dma_start3A_163 = arith.constant 6200 : i32
    %dma_start3A_164 = tpu.memref_slice %arg6[%dma_start3A_163] : memref<6400xi32, #tpu.memory_space<vmem>> -> memref<104xi32, #tpu.memory_space<vmem>>
    %dma_start3A_165 = arith.constant 0 : i32
    %dma_start3A_166 = arith.constant 0 : i32
    %dma_start3A_167 = tpu.memref_slice %arg3[%dma_start3A_165, %dma_start3A_166] : memref<100000x128xf32, #tpu.memory_space<hbm>> -> memref<100000x128xf32, #tpu.memory_space<hbm>>
    tpu.enqueue_indirect_dma source(%dma_start3A_167 : memref<100000x128xf32, #tpu.memory_space<hbm>>) target(%dma_start3A_162 : memref<104x128xf32, #tpu.memory_space<vmem>>) offsets(%dma_start3A_164 : memref<104xi32, #tpu.memory_space<vmem>>) semaphore(%arg12 : memref<!tpu.dma_semaphore, #tpu.memory_space<semaphore_mem>>)
    %dma_start3A_168 = arith.constant 104 : i32
    %dma_start3A_169 = arith.constant 0 : i32
    %dma_start3A_170 = tpu.memref_slice %arg8[%dma_start3A_168, %dma_start3A_169] : memref<200x128xf32, #tpu.memory_space<vmem>> -> memref<96x128xf32, #tpu.memory_space<vmem>>
    %dma_start3A_171 = arith.constant 6304 : i32
    %dma_start3A_172 = tpu.memref_slice %arg6[%dma_start3A_171] : memref<6400xi32, #tpu.memory_space<vmem>> -> memref<96xi32, #tpu.memory_space<vmem>>
    %dma_start3A_173 = arith.constant 0 : i32
    %dma_start3A_174 = arith.constant 0 : i32
    %dma_start3A_175 = tpu.memref_slice %arg3[%dma_start3A_173, %dma_start3A_174] : memref<100000x128xf32, #tpu.memory_space<hbm>> -> memref<100000x128xf32, #tpu.memory_space<hbm>>
    tpu.enqueue_indirect_dma source(%dma_start3A_175 : memref<100000x128xf32, #tpu.memory_space<hbm>>) target(%dma_start3A_170 : memref<96x128xf32, #tpu.memory_space<vmem>>) offsets(%dma_start3A_172 : memref<96xi32, #tpu.memory_space<vmem>>) semaphore(%arg12 : memref<!tpu.dma_semaphore, #tpu.memory_space<semaphore_mem>>)
    %dma_wait3A_176 = arith.constant 0 : i32
    %dma_wait3A_177 = arith.constant 0 : i32
    %dma_wait3A_178 = tpu.memref_slice %arg7[%dma_wait3A_176, %dma_wait3A_177] : memref<200x128xf32, #tpu.memory_space<vmem>> -> memref<104x128xf32, #tpu.memory_space<vmem>>
    %dma_wait3A_179 = arith.constant 6000 : i32
    %dma_wait3A_180 = tpu.memref_slice %arg6[%dma_wait3A_179] : memref<6400xi32, #tpu.memory_space<vmem>> -> memref<104xi32, #tpu.memory_space<vmem>>
    %dma_wait3A_181 = arith.constant 0 : i32
    %dma_wait3A_182 = arith.constant 0 : i32
    %dma_wait3A_183 = tpu.memref_slice %arg3[%dma_wait3A_181, %dma_wait3A_182] : memref<100000x128xf32, #tpu.memory_space<hbm>> -> memref<100000x128xf32, #tpu.memory_space<hbm>>
    tpu.wait_indirect_dma semaphore(%arg11 : memref<!tpu.dma_semaphore, #tpu.memory_space<semaphore_mem>>) src(%dma_wait3A_183 : memref<100000x128xf32, #tpu.memory_space<hbm>>) dst(%dma_wait3A_178 : memref<104x128xf32, #tpu.memory_space<vmem>>)
    %dma_wait3A_184 = arith.constant 104 : i32
    %dma_wait3A_185 = arith.constant 0 : i32
    %dma_wait3A_186 = tpu.memref_slice %arg7[%dma_wait3A_184, %dma_wait3A_185] : memref<200x128xf32, #tpu.memory_space<vmem>> -> memref<96x128xf32, #tpu.memory_space<vmem>>
    %dma_wait3A_187 = arith.constant 6104 : i32
    %dma_wait3A_188 = tpu.memref_slice %arg6[%dma_wait3A_187] : memref<6400xi32, #tpu.memory_space<vmem>> -> memref<96xi32, #tpu.memory_space<vmem>>
    %dma_wait3A_189 = arith.constant 0 : i32
    %dma_wait3A_190 = arith.constant 0 : i32
    %dma_wait3A_191 = tpu.memref_slice %arg3[%dma_wait3A_189, %dma_wait3A_190] : memref<100000x128xf32, #tpu.memory_space<hbm>> -> memref<100000x128xf32, #tpu.memory_space<hbm>>
    tpu.wait_indirect_dma semaphore(%arg11 : memref<!tpu.dma_semaphore, #tpu.memory_space<semaphore_mem>>) src(%dma_wait3A_191 : memref<100000x128xf32, #tpu.memory_space<hbm>>) dst(%dma_wait3A_186 : memref<96x128xf32, #tpu.memory_space<vmem>>)
    %add3A_192 = arith.constant 30 : i32
    %add3A_193 = arith.addi %mul3A_2, %add3A_192 : i32
    %mul3A_194 = arith.constant 200 : i32
    %mul3A_195 = arith.muli %add3A_193, %mul3A_194 : i32
    %dma_start3A_196 = arith.constant 0 : i32
    %dma_start3A_197 = tpu.memref_slice %arg5[%mul3A_195, %dma_start3A_196] : memref<204800x128xf32, #tpu.memory_space<hbm>> -> memref<200x128xf32, #tpu.memory_space<hbm>>
    %dma_start3A_198 = arith.constant 0 : i32
    %dma_start3A_199 = tpu.memref_slice %arg5[%mul3A_195, %dma_start3A_198] : memref<204800x128xf32, #tpu.memory_space<hbm>> -> memref<200x128xf32, #tpu.memory_space<hbm>>
    tpu.enqueue_dma source(%arg7 : memref<200x128xf32, #tpu.memory_space<vmem>>) target(%dma_start3A_199 : memref<200x128xf32, #tpu.memory_space<hbm>>) target_semaphore(%arg14 : memref<!tpu.dma_semaphore, #tpu.memory_space<semaphore_mem>>)
    %add3A_200 = arith.constant 29 : i32
    %add3A_201 = arith.addi %mul3A_2, %add3A_200 : i32
    %mul3A_202 = arith.constant 200 : i32
    %mul3A_203 = arith.muli %add3A_201, %mul3A_202 : i32
    %dma_wait3A_204 = arith.constant 0 : i32
    %dma_wait3A_205 = tpu.memref_slice %arg5[%mul3A_203, %dma_wait3A_204] : memref<204800x128xf32, #tpu.memory_space<hbm>> -> memref<200x128xf32, #tpu.memory_space<hbm>>
    %dma_wait3A_206 = arith.constant 0 : i32
    %dma_wait3A_207 = tpu.memref_slice %arg5[%mul3A_203, %dma_wait3A_206] : memref<204800x128xf32, #tpu.memory_space<hbm>> -> memref<200x128xf32, #tpu.memory_space<hbm>>
    tpu.wait_dma2 semaphore(%arg16 : memref<!tpu.dma_semaphore, #tpu.memory_space<semaphore_mem>>) src(%arg9 : memref<200x128xf32, #tpu.memory_space<vmem>>) dst(%dma_wait3A_207 : memref<200x128xf32, #tpu.memory_space<hbm>>)
    %dma_wait3A_208 = arith.constant 0 : i32
    %dma_wait3A_209 = arith.constant 0 : i32
    %dma_wait3A_210 = tpu.memref_slice %arg8[%dma_wait3A_208, %dma_wait3A_209] : memref<200x128xf32, #tpu.memory_space<vmem>> -> memref<104x128xf32, #tpu.memory_space<vmem>>
    %dma_wait3A_211 = arith.constant 6200 : i32
    %dma_wait3A_212 = tpu.memref_slice %arg6[%dma_wait3A_211] : memref<6400xi32, #tpu.memory_space<vmem>> -> memref<104xi32, #tpu.memory_space<vmem>>
    %dma_wait3A_213 = arith.constant 0 : i32
    %dma_wait3A_214 = arith.constant 0 : i32
    %dma_wait3A_215 = tpu.memref_slice %arg3[%dma_wait3A_213, %dma_wait3A_214] : memref<100000x128xf32, #tpu.memory_space<hbm>> -> memref<100000x128xf32, #tpu.memory_space<hbm>>
    tpu.wait_indirect_dma semaphore(%arg12 : memref<!tpu.dma_semaphore, #tpu.memory_space<semaphore_mem>>) src(%dma_wait3A_215 : memref<100000x128xf32, #tpu.memory_space<hbm>>) dst(%dma_wait3A_210 : memref<104x128xf32, #tpu.memory_space<vmem>>)
    %dma_wait3A_216 = arith.constant 104 : i32
    %dma_wait3A_217 = arith.constant 0 : i32
    %dma_wait3A_218 = tpu.memref_slice %arg8[%dma_wait3A_216, %dma_wait3A_217] : memref<200x128xf32, #tpu.memory_space<vmem>> -> memref<96x128xf32, #tpu.memory_space<vmem>>
    %dma_wait3A_219 = arith.constant 6304 : i32
    %dma_wait3A_220 = tpu.memref_slice %arg6[%dma_wait3A_219] : memref<6400xi32, #tpu.memory_space<vmem>> -> memref<96xi32, #tpu.memory_space<vmem>>
    %dma_wait3A_221 = arith.constant 0 : i32
    %dma_wait3A_222 = arith.constant 0 : i32
    %dma_wait3A_223 = tpu.memref_slice %arg3[%dma_wait3A_221, %dma_wait3A_222] : memref<100000x128xf32, #tpu.memory_space<hbm>> -> memref<100000x128xf32, #tpu.memory_space<hbm>>
    tpu.wait_indirect_dma semaphore(%arg12 : memref<!tpu.dma_semaphore, #tpu.memory_space<semaphore_mem>>) src(%dma_wait3A_223 : memref<100000x128xf32, #tpu.memory_space<hbm>>) dst(%dma_wait3A_218 : memref<96x128xf32, #tpu.memory_space<vmem>>)
    %add3A_224 = arith.constant 31 : i32
    %add3A_225 = arith.addi %mul3A_2, %add3A_224 : i32
    %mul3A_226 = arith.constant 200 : i32
    %mul3A_227 = arith.muli %add3A_225, %mul3A_226 : i32
    %dma_start3A_228 = arith.constant 0 : i32
    %dma_start3A_229 = tpu.memref_slice %arg5[%mul3A_227, %dma_start3A_228] : memref<204800x128xf32, #tpu.memory_space<hbm>> -> memref<200x128xf32, #tpu.memory_space<hbm>>
    %dma_start3A_230 = arith.constant 0 : i32
    %dma_start3A_231 = tpu.memref_slice %arg5[%mul3A_227, %dma_start3A_230] : memref<204800x128xf32, #tpu.memory_space<hbm>> -> memref<200x128xf32, #tpu.memory_space<hbm>>
    tpu.enqueue_dma source(%arg8 : memref<200x128xf32, #tpu.memory_space<vmem>>) target(%dma_start3A_231 : memref<200x128xf32, #tpu.memory_space<hbm>>) target_semaphore(%arg15 : memref<!tpu.dma_semaphore, #tpu.memory_space<semaphore_mem>>)
    %add3A_232 = arith.constant 30 : i32
    %add3A_233 = arith.addi %mul3A_2, %add3A_232 : i32
    %mul3A_234 = arith.constant 200 : i32
    %mul3A_235 = arith.muli %add3A_233, %mul3A_234 : i32
    %dma_wait3A_236 = arith.constant 0 : i32
    %dma_wait3A_237 = tpu.memref_slice %arg5[%mul3A_235, %dma_wait3A_236] : memref<204800x128xf32, #tpu.memory_space<hbm>> -> memref<200x128xf32, #tpu.memory_space<hbm>>
    %dma_wait3A_238 = arith.constant 0 : i32
    %dma_wait3A_239 = tpu.memref_slice %arg5[%mul3A_235, %dma_wait3A_238] : memref<204800x128xf32, #tpu.memory_space<hbm>> -> memref<200x128xf32, #tpu.memory_space<hbm>>
    tpu.wait_dma2 semaphore(%arg14 : memref<!tpu.dma_semaphore, #tpu.memory_space<semaphore_mem>>) src(%arg7 : memref<200x128xf32, #tpu.memory_space<vmem>>) dst(%dma_wait3A_239 : memref<200x128xf32, #tpu.memory_space<hbm>>)
    %add3A_240 = arith.constant 31 : i32
    %add3A_241 = arith.addi %mul3A_2, %add3A_240 : i32
    %mul3A_242 = arith.constant 200 : i32
    %mul3A_243 = arith.muli %add3A_241, %mul3A_242 : i32
    %dma_wait3A_244 = arith.constant 0 : i32
    %dma_wait3A_245 = tpu.memref_slice %arg5[%mul3A_243, %dma_wait3A_244] : memref<204800x128xf32, #tpu.memory_space<hbm>> -> memref<200x128xf32, #tpu.memory_space<hbm>>
    %dma_wait3A_246 = arith.constant 0 : i32
    %dma_wait3A_247 = tpu.memref_slice %arg5[%mul3A_243, %dma_wait3A_246] : memref<204800x128xf32, #tpu.memory_space<hbm>> -> memref<200x128xf32, #tpu.memory_space<hbm>>
    tpu.wait_dma2 semaphore(%arg15 : memref<!tpu.dma_semaphore, #tpu.memory_space<semaphore_mem>>) src(%arg8 : memref<200x128xf32, #tpu.memory_space<vmem>>) dst(%dma_wait3A_247 : memref<200x128xf32, #tpu.memory_space<hbm>>)
    return
  }
}

</mosaic_0001>

<sc_bundles>
// kernel: input_embedding_sc.3.cloned.1.call-start
scs
__scs_entry_jumppad:
0x0: {  	(pc) =	sbr.rel $0x88, $3  }
0x1: {  	(tag) =	ssettag $0x0;
	lr =	simm.s32 $0x1  }
0x2: {  	[smem:$0x3F9E] =	sst lr;
	_ =	strace $0xD0000000  }
0x3: {  	_ = 	snop  }
0x4: {  	_ = 	snop  }
0x5: {  	_ = 	snop  }
0x6: {  	_ = 	snop  }
0x7: {  	_ = 	snop  }
__scs_overlays_trampoline_lowered:
0x8: {  	[smem:$0x3FAD] =	sst s0  }
0x9: {  	[smem:$0x3FAE] =	sst s1  }
0xa: {  	[smem:$0x3FAF] =	sst s2  }
0xb: {  	[smem:$0x3FB0] =	sst s3  }
0xc: {  	[smem:$0x3FB1] =	sst s4  }
0xd: {  	[smem:$0x3FB2] =	sst s5  }
0xe: {  	[smem:$0x3FB3] =	sst s6  }
0xf: {  	[smem:$0x3FB4] =	sst s7  }
0x10: {  	[smem:$0x3FB5] =	sst s8  }
0x11: {  	[smem:$0x3FB6] =	sst s9;
	s0 =	simm.s32 @!p0 $0x0  }
0x12: {  	s1 =	sld [smem:$0x3F9C];
	s0 =	simm.s32 @p0 $0x1  }
0x13: {  	[smem:$0x3FB7] =	sst s0;
	s0 =	simm.s32 @!p1 $0x0  }
0x14: {  	s2 =	sld [smem:$0x3F9B];
	s0 =	simm.s32 @p1 $0x1  }
0x15: {  	[smem:$0x3FB8] =	sst s0;
	s0 =	simm.s32 @!p2 $0x0  }
0x16: {  	s3 =	sld [smem:$0x3FDB];
	s0 =	simm.s32 @p2 $0x1  }
0x17: {  	s4 =	simm.s32 $0x1BF5;
	[smem:$0x3FBA] =	sst s0  }
0x18: {  	s0 =	sld [smem:$0x3F9D];
	_ =	swait.ge [sflag:s4], $0x0  }
0x19: {  	s7 =	sld [smem:$0x3F9E]  }
0x1a: {  	s8 =	sadd.s32 $0xFFFFE003, lr  }
0x1b: {  	s9 =	sadd.s32 $0xFFFFFEF7, lr;
	s5 =	simm.s32 $0xFFFFFFFF;
	p2 =	slt.u32 s8, $0xFFFFF086  }
0x1c: {  	p1 =	slt.u32 s9, $0xF7A;
	s5 =	simm.s32 @!p2 $0x0  }
0x1d: {  	s5 =	simm.s32 @p1 $0x1;
	p0 =	seq.s32 s7, s2  }
0x1e: {  	s7 =	smul.u32 @!p0 $0xF7A, s2;
	p2 =	seq.s32 @!p0 s5, $0x0  }
0x1f: {  	s9 =	smul.u32 $0xF7A, s1;
	s8 =	simm.s32 @!p0 $0x1BF5;
	p2 =	por !p2, p0  }
0x20: {  	[sflag:s8] =	ssyncset.s32 @!p0 $0xFFFFF086;
	s6 =	sadd.s32 @!p0 s3, s7;
	s7 =	simm.s32 @!p0 $0x108  }
0x21: {  	s3 =	sadd.s32 s3, s9;
	s6 =	sadd.s32 @!p0 $0x88, s6;
	s7 =	simm.s32 @p2 $0x1082  }
0x22: {  	[simem:s7], [sflag:s8] =	dma.local @!p0 [hbm:s6], $0xF7A  }
0x23: {  	s9 =	sor.u32 $0xD0000000, s2;
	s6 =	simm.s32 $0x108;
	_ =	swait.ge @!p0 [sflag:s8], $0x0  }
0x24: {  	s3 =	sadd.s32 $0x88, s3;
	s6 =	simm.s32 @!p1 $0x1082;
	[sflag:s4] =	ssyncset.s32 $0xFFFFF086  }
0x25: {  	[simem:s6], [sflag:s4] =	dma.local [hbm:s3], $0xF7A  }
0x26: {  	[smem:$0x3F9E] =	sst s1;
	(tag) =	ssettag s2;
	_ =	strace s9  }
0x27: {  	s1 =	sld [smem:$0x3FAE]  }
0x28: {  	s2 =	sld [smem:$0x3FAF]  }
0x29: {  	s4 =	sld [smem:$0x3FB1]  }
0x2a: {  	p0 =	seq.s32 s5, $0x0;
	s5 =	sld [smem:$0x3FB2]  }
0x2b: {  	s6 =	sld [smem:$0x3FB3]  }
0x2c: {  	s7 =	sld [smem:$0x3FB4]  }
0x2d: {  	s3 =	simm.s32 $0x108;
	s8 =	sld [smem:$0x3FB5]  }
0x2e: {  	s3 =	simm.s32 @!p0 $0x1082;
	s9 =	sld [smem:$0x3FB6]  }
0x2f: {  	lr =	sadd.s32 s0, s3;
	s0 =	sld [smem:$0x3FAD]  }
0x30: {  	s3 =	sld [smem:$0x3FB0]  }
0x31: {  	[smem:$0x3FB9] =	sst s10  }
0x32: {  	s10 =	sld [smem:$0x3FB7];
	_ =	sdelay $0x3  }
0x33: {  	p0 =	seq.s32 s10, $0x1;
	s10 =	sld [smem:$0x3FB9];
	_ =	sdelay $0x3  }
0x34: {  	[smem:$0x3FB9] =	sst s10  }
0x35: {  	s10 =	sld [smem:$0x3FB8];
	_ =	sdelay $0x3  }
0x36: {  	p1 =	seq.s32 s10, $0x1;
	s10 =	sld [smem:$0x3FB9];
	_ =	sdelay $0x3  }
0x37: {  	[smem:$0x3FB9] =	sst s10  }
0x38: {  	s10 =	sld [smem:$0x3FBA]  }
0x39: {  	_ = 	snop;
	(pc) =	sbr.ind lr, $3  }
0x3a: {  	_ = 	snop  }
0x3b: {  	_ = 	snop  }
0x3c: {  	p2 =	seq.s32 s10, $0x1;
	s10 =	sld [smem:$0x3FB9]  }
0x3d: {  	_ =	shalt  }
0x3e: {  	_ =	shalt  }
0x3f: {  	_ =	shalt  }
0x40: {  	_ =	shalt  }
0x41: {  	_ =	shalt  }
0x42: {  	_ =	shalt  }
0x43: {  	_ =	shalt  }
0x44: {  	_ =	shalt  }
0x45: {  	_ =	shalt  }
0x46: {  	_ =	shalt  }
0x47: {  	_ =	shalt  }
0x48: {  	_ =	shalt  }
0x49: {  	_ =	shalt  }
0x4a: {  	_ =	shalt  }
0x4b: {  	_ =	shalt  }
0x4c: {  	_ =	shalt  }
0x4d: {  	_ =	shalt  }
0x4e: {  	_ =	shalt  }
0x4f: {  	_ =	shalt  }
0x50: {  	_ =	shalt  }
0x51: {  	_ =	shalt  }
0x52: {  	_ =	shalt  }
0x53: {  	_ =	shalt  }
0x54: {  	_ =	shalt  }
0x55: {  	_ =	shalt  }
0x56: {  	_ =	shalt  }
0x57: {  	_ =	shalt  }
0x58: {  	_ =	shalt  }
0x59: {  	_ =	shalt  }
0x5a: {  	_ =	shalt  }
0x5b: {  	_ =	shalt  }
0x5c: {  	_ =	shalt  }
0x5d: {  	_ =	shalt  }
0x5e: {  	_ =	shalt  }
0x5f: {  	_ =	shalt  }
0x60: {  	_ =	shalt  }
0x61: {  	_ =	shalt  }
0x62: {  	_ =	shalt  }
0x63: {  	_ =	shalt  }
0x64: {  	_ =	shalt  }
0x65: {  	_ =	shalt  }
0x66: {  	_ =	shalt  }
0x67: {  	_ =	shalt  }
0x68: {  	_ =	shalt  }
0x69: {  	_ =	shalt  }
0x6a: {  	_ =	shalt  }
0x6b: {  	_ =	shalt  }
0x6c: {  	_ =	shalt  }
0x6d: {  	_ =	shalt  }
0x6e: {  	_ =	shalt  }
0x6f: {  	_ =	shalt  }
0x70: {  	_ =	shalt  }
0x71: {  	_ =	shalt  }
0x72: {  	_ =	shalt  }
0x73: {  	_ =	shalt  }
0x74: {  	_ =	shalt  }
0x75: {  	_ =	shalt  }
0x76: {  	_ =	shalt  }
0x77: {  	_ =	shalt  }
0x78: {  	_ =	shalt  }
0x79: {  	_ =	shalt  }
0x7a: {  	_ =	shalt  }
0x7b: {  	_ =	shalt  }
0x7c: {  	_ =	shalt  }
0x7d: {  	_ =	shalt  }
0x7e: {  	_ =	shalt  }
0x7f: {  	_ =	shalt  }
0x80: {  	_ =	shalt  }
0x81: {  	_ =	shalt  }
0x82: {  	_ =	shalt  }
0x83: {  	_ =	shalt  }
0x84: {  	_ =	shalt  }
0x85: {  	_ =	shalt  }
0x86: {  	_ =	shalt  }
0x87: {  	_ =	shalt  }
.Lfunc_end0:
.L_simem_size_0:
called_computation_lowered:
.L_overlay_start_0:
0x88: {  	s2 =	sld [smem:$0x3FD9]  }
0x89: {  	s3 =	sld [smem:$0x3FFE];
	_ =	sdelay $0x1  }
0x8a: {  	s1 =	srdreg.scid  }
0x8b: {  	s0 =	sand.u32 $0x1, s1  }
0x8c: {  	s18 =	sshll.u32 s0, $0xA;
	s2 =	sadd.s32 s3, s2  }
0x8d: {  	s2 =	sadd.s32 s2, s18  }
0x8e: {  	[smem:$0x3FC5] =	sst s2  }
0x8f: {  	_ = 	snop  }
0x90: {  	s2 =	sld [smem:$0x3FC9]  }
0x91: {  	s19 =	sld [smem:$0x3FC8]  }
0x92: {  	s4 =	sld [smem:$0x3FC7]  }
0x93: {  	s5 =	sld [smem:$0x3FD0];
	(tm) =	ssettm $0x1  }
0x94: {  	s6 =	sld [smem:$0x3FFB];
	_ =	sdelay $0x3  }
0x95: {  	_ =	strace s6  }
0x96: {  	s6 =	sld [smem:$0x3FFC];
	_ =	sdelay $0x3  }
0x97: {  	_ =	strace s6  }
0x98: {  	s6 =	sld [smem:$0x3FFD];
	_ =	sdelay $0x3  }
0x99: {  	_ =	strace s6  }
0x9a: {  	_ =	strace $0x8FFFFFFF  }
0x9b: {  	s20 =	sld [smem:$0x3FDB];
	_ =	sdelay $0x1  }
0x9c: {  	s7 =	simm.s32 $_scs_section_size  }
0x9d: {  	s8 =	simm.s32 $_size__tile_overlayer_lowered;
	s9 =	simm.s32 $_tile_overlayer_lowered  }
0x9e: {  	s23 =	simm.s32 $0x1BFF;
	s22 =	sshll.u32 s9, $0x1;
	s6 =	sadd.s32 s7, s20  }
0x9f: {  	s10 =	simm.s32 $0x0;
	s21 =	sshll.u32 s8, $0x1;
	s8 =	sadd.s32 s22, s6  }
0xa0: {  	[timem:s10], [sflag:s23] =	dma.local [hbm:s8], s21  }
0xa1: {  	_ =	swait.ge [sflag:s23], s21  }
0xa2: {  	s7 =	ssub.s32 $0x0, s21;
	[sflag:s23] =	ssyncset.done $0x0  }
0xa3: {  	[sflag:s23] =	ssyncadd.s32 s7;
	_ =	sdelay $0x1  }
0xa4: {  	s24 =	simm.s32 $0x1B8B  }
0xa5: {  	_ =	swait.ge [sflag:s24], $0x1  }
0xa6: {  	[sflag:s24] =	ssyncset.done $0x0  }
0xa7: {  	s25 =	simm.s32 $0x1B8E;
	[sflag:s24] =	ssyncadd.s32 $0xFFFFFFFF  }
0xa8: {  	s26 =	simm.s32 $execute0_lowered;
	[smem:$0x3FD2] =	sst s25  }
0xa9: {  	s7 =	sshll.u32 s26, $0x1;
	_ =	strace $0x80000046;
	[dreg:$0x1] =	wrdreg $0xFFFFFFFF  }
0xaa: {  	s28 =	simm.s32 $_size_execute0_lowered;
	s6 =	sadd.s32 s6, s7;
	[dreg:$0x0] =	wrdreg $0x0  }
0xab: {  	s7 =	sshll.u32 s28, $0x1;
	[dreg:$0x2] =	wrdreg s6  }
0xac: {  	[dreg:$0x3] =	wrdreg s7  }
0xad: {  	[dreg:$0x4] =	wrdreg $0xC0  }
0xae: {  	_ =	task [dreg:s10], $0x5FFFF  }
0xaf: {  	[dreg:$0x1] =	wrdreg $0xFFFFFFFF  }
0xb0: {  	[dreg:$0x0] =	wrdreg $0x60  }
0xb1: {  	[dreg:$0x2] =	wrdreg s2  }
0xb2: {  	[dreg:$0x3] =	wrdreg s19  }
0xb3: {  	[dreg:$0x4] =	wrdreg s4  }
0xb4: {  	[dreg:$0x5] =	wrdreg s5  }
0xb5: {  	[dreg:$0x6] =	wrdreg $0x9  }
0xb6: {  	_ =	task.clear_ibuf [dreg:s10], $0x7FFFF;
	_ =	strace $0x90000046  }
0xb7: {  	s29 =	simm.s32 $0x9;
	_ =	strace $0x80000048  }
0xb8: {  	_ =	swait.ge [sflag:s29], $0x1  }
0xb9: {  	[sflag:s29] =	ssyncadd.s32 $0xFFFFFFFF  }
0xba: {  	_ =	strace $0x90000048  }
0xbb: {  	_ =	sfence  }
0xbc: {  	s30 =	sld [smem:$0x0];
	_ =	sdelay $0x2  }
0xbd: {  	s31 =	sshll.u32 s1, $0xD;
	s1 =	sshrl.u32 s1, $0x2  }
0xbe: {  	s3 =	sand.u32 $0x4000, s31;
	s1 =	sadd.s32 s1, s30  }
0xbf: {  	s0 =	sor.u32 s3, s0;
	s1 =	sshll.u32 s1, $0x11  }
0xc0: {  	s0 =	sor.u32 s1, s0  }
0xc1: {  	s0 =	sadd.s32 $0x8F2B, s0  }
0xc2: {  	[sflag:s0] =	ssyncadd.remote.s32 $0x1  }
0xc3: {  	_ =	sfence.sel $0xFFFF  }
0xc4: {  	[dreg:$0x0] =	wrdreg $0xFFFFFFFF;
	(pc) =	sbr.abs _section_cstart, $3  }
0xc5: {  	[dreg:$0x1] =	wrdreg $0xFFFFFFFF  }
0xc6: {  	_ =	task.clear_ibuf [dreg:s10], $0x2FFFF;
	_ =	strace $0x9FFFFFFF  }
0xc7: {  	(tm) =	ssettm $0x7FFFFFFF  }
tec
execute0_lowered:
.L_overlay_start_1:
0x0: {  	(tag) =	ssettag $0x1  }
0x1: {  	s0 =	rddreg [dreg:$0x0]  }
0x2: {  	s1 =	rddreg [dreg:$0x1];
	s2 =	srdreg.scid  }
0x3: {  	s10 =	stileid.u32;
	s3 =	rddreg [dreg:$0x3];
	s13 =	simm.s32 $0x7  }
0x4: {  	s15 =	simm.s32 $0x68;
	s16 =	simm.s32 $0x1900;
	s17 =	simm.s32 $0x60  }
0x5: {  	s18 =	simm.s32 $0x4D00;
	s20 =	simm.s32 $0x7D00;
	s22 =	simm.s32 $0xB100  }
0x6: {  	s28 =	simm.s32 $0x1;
	s29 =	simm.s32 $0x2;
	s30 =	simm.s32 $0x4  }
0x7: {  	s2 =	sand.u32 $0x1, s2;
	s4 =	sshll.u32 s10, $0x1;
	s25 =	smul.u32 $0x32000, s10  }
0x8: {  	s5 =	sor.u32 s2, s4;
	s6 =	ssub.s32 $0x2, s2;
	s2 =	smul.u32 $0x19000, s2  }
0x9: {  	s31 =	simm.s32 $0x3;
	s4 =	simm.s32 $0x0;
	s7 =	smul.u32 $0x320, s5  }
0xa: {  	s21 =	simm.s32 $0x18A0;
	[smem:$0x7FF] =	sst s4;
	s9 =	smul.u32 $0xC8000, s5  }
0xb: {  	s8 =	sshrl.u32 s6, $0x1;
	s23 =	smul.u32 $0x19000, s5;
	_ =	strace $0x80000047  }
0xc: {  	s11 =	ssub.s32 s6, s8;
	s5 =	sadd.s32 s0, s7;
	s24 =	sshrl.u32 s9, $0x3  }
0xd: {  	s6 =	sadd.s32 s3, s23;
	s11 =	smax.u32 s11, $0x1;
	s23 =	simm.s32 $0x0  }
0xe: {  	s0 =	sadd.s32 s3, s24;
	s3 =	sadd.s32 s25, s3;
	s24 =	simm.s32 $0xE100  }
0xf: {  	s7 =	sadd.s32 $0x15E00, s0;
	s8 =	sadd.s32 $0x16A80, s0;
	s9 =	sadd.s32 $0x17700, s0  }
0x10: {  	s10 =	sadd.s32 $0x18380, s0;
	s26 =	sadd.s32 s2, s3;
	s2 =	simm.s32 $0x5  }
0x11: {  	s0 =	simm.s32 $0x6;
	s12 =	sadd.s32 $0x1900, s26;
	s26 =	simm.s32 $0x11500  }
.LBB2_1:
0x12: {  	[tilespmem:s4], [sflag:$0x7] =	stream.linear.gather [hbm4b:s5+s4], $0x1900, $0x38;
	[tilespmem:$0x1A900] =	vst v63  }
0x13: {  	_ =	swait.ge [sflag:s13], $0x1900  }
0x14: {  	[sflag:s13] =	ssyncset.done $0x0  }
0x15: {  	[sflag:s13] =	ssyncadd.s32 $0xFFFFE700  }
0x16: {  	s14 =	simm.s32 $0x14500;
	s3 =	rddreg [dreg:$0x2]  }
0x17: {  	[tilespmem:s14], [sflag:$0x7] =	stream.linear.gather [hbm4b:s3+s4], $0x6400, $0x38;
	[tilespmem:$0x1A900] =	vst v63  }
0x18: {  	_ =	swait.ge [sflag:s13], $0x6400  }
0x19: {  	[sflag:s13] =	ssyncset.done $0x0  }
0x1a: {  	[sflag:s13] =	ssyncadd.s32 $0xFFFF9C00  }
0x1b: {  	[tilespmem:s16], [sflag:$0x1] =	stream.indirect.gather [hbm4b:s1+s15], $0x80, s4, s15, $0xb8;
	[tilespmem:$0x1A900] =	vst v63  }
0x1c: {  	_ = 	snop  }
0x1d: {  	[tilespmem:s18], [sflag:$0x1] =	stream.indirect.gather [hbm4b:s1+s17], $0x80, s15, s17, $0xb8;
	[tilespmem:$0x1A900] =	vst v63  }
0x1e: {  	s19 =	simm.s32 $0xC8  }
0x1f: {  	[tilespmem:s20], [sflag:$0x2] =	stream.indirect.gather [hbm4b:s1+s15], $0x80, s19, s15, $0xb8;
	[tilespmem:$0x1A900] =	vst v63  }
0x20: {  	s25 =	simm.s32 $0x130  }
0x21: {  	[tilespmem:s22], [sflag:$0x2] =	stream.indirect.gather [hbm4b:s1+s17], $0x80, s25, s17, $0xb8;
	[tilespmem:$0x1A900] =	vst v63  }
0x22: {  	s14 =	simm.s32 $0x190  }
0x23: {  	[tilespmem:s24], [sflag:$0x3] =	stream.indirect.gather [hbm4b:s1+s15], $0x80, s14, s15, $0xb8;
	[tilespmem:$0x1A900] =	vst v63  }
0x24: {  	s19 =	simm.s32 $0x1F8  }
0x25: {  	[tilespmem:s26], [sflag:$0x3] =	stream.indirect.gather [hbm4b:s1+s17], $0x80, s19, s17, $0xb8;
	[tilespmem:$0x1A900] =	vst v63  }
0x26: {  	_ =	swait.ge [sflag:s28], $0x3400  }
0x27: {  	[sflag:s28] =	ssyncset.done $0x0  }
0x28: {  	[sflag:s28] =	ssyncadd.s32 $0xFFFFCC00  }
0x29: {  	_ =	swait.ge [sflag:s28], $0x3000  }
0x2a: {  	[sflag:s28] =	ssyncset.done $0x0  }
0x2b: {  	[sflag:s28] =	ssyncadd.s32 $0xFFFFD000  }
0x2c: {  	[hbm4b:s6+s4] =	stream.linear.scatter [tilespmem:s16], [sflag:$0x4], $0x6400, $0x38;
	[tilespmem:$0x1A900] =	vst v63  }
0x2d: {  	_ =	swait.ge [sflag:s29], $0x3400  }
0x2e: {  	[sflag:s29] =	ssyncset.done $0x0  }
0x2f: {  	[sflag:s29] =	ssyncadd.s32 $0xFFFFCC00  }
0x30: {  	_ =	swait.ge [sflag:s29], $0x3000  }
0x31: {  	[sflag:s29] =	ssyncset.done $0x0  }
0x32: {  	s25 =	sadd.s32 $0xFFFFF380, s12;
	[sflag:s29] =	ssyncadd.s32 $0xFFFFD000  }
0x33: {  	[hbm4b:s25+s4] =	stream.linear.scatter [tilespmem:s20], [sflag:$0x5], $0x6400, $0x38;
	[tilespmem:$0x1A900] =	vst v63  }
0x34: {  	_ =	swait.ge [sflag:s30], $0x6400  }
0x35: {  	[sflag:s30] =	ssyncset.done $0x0  }
0x36: {  	s14 =	simm.s32 $0x258;
	[sflag:s30] =	ssyncadd.s32 $0xFFFF9C00  }
0x37: {  	[tilespmem:s16], [sflag:$0x1] =	stream.indirect.gather [hbm4b:s1+s15], $0x80, s14, s15, $0xb8;
	[tilespmem:$0x1A900] =	vst v63  }
0x38: {  	s19 =	simm.s32 $0x2C0  }
0x39: {  	[tilespmem:s18], [sflag:$0x1] =	stream.indirect.gather [hbm4b:s1+s17], $0x80, s19, s17, $0xb8;
	[tilespmem:$0x1A900] =	vst v63  }
0x3a: {  	_ =	swait.ge [sflag:s31], $0x3400  }
0x3b: {  	[sflag:s31] =	ssyncset.done $0x0  }
0x3c: {  	[sflag:s31] =	ssyncadd.s32 $0xFFFFCC00  }
0x3d: {  	_ =	swait.ge [sflag:s31], $0x3000  }
0x3e: {  	[sflag:s31] =	ssyncset.done $0x0  }
0x3f: {  	[sflag:s31] =	ssyncadd.s32 $0xFFFFD000  }
0x40: {  	[hbm4b:s12+s4] =	stream.linear.scatter [tilespmem:s24], [sflag:$0x6], $0x6400, $0x38;
	[tilespmem:$0x1A900] =	vst v63  }
0x41: {  	_ =	swait.ge [sflag:s2], $0x6400  }
0x42: {  	[sflag:s2] =	ssyncset.done $0x0  }
0x43: {  	s25 =	simm.s32 $0x320;
	[sflag:s2] =	ssyncadd.s32 $0xFFFF9C00  }
0x44: {  	[tilespmem:s20], [sflag:$0x2] =	stream.indirect.gather [hbm4b:s1+s15], $0x80, s25, s15, $0xb8;
	[tilespmem:$0x1A900] =	vst v63  }
0x45: {  	s14 =	simm.s32 $0x388  }
0x46: {  	[tilespmem:s22], [sflag:$0x2] =	stream.indirect.gather [hbm4b:s1+s17], $0x80, s14, s17, $0xb8;
	[tilespmem:$0x1A900] =	vst v63  }
0x47: {  	_ =	swait.ge [sflag:s28], $0x3400  }
0x48: {  	[sflag:s28] =	ssyncset.done $0x0  }
0x49: {  	[sflag:s28] =	ssyncadd.s32 $0xFFFFCC00  }
0x4a: {  	_ =	swait.ge [sflag:s28], $0x3000  }
0x4b: {  	[sflag:s28] =	ssyncset.done $0x0  }
0x4c: {  	s19 =	sadd.s32 $0xC80, s12;
	[sflag:s28] =	ssyncadd.s32 $0xFFFFD000  }
0x4d: {  	[hbm4b:s19+s4] =	stream.linear.scatter [tilespmem:s16], [sflag:$0x4], $0x6400, $0x38;
	[tilespmem:$0x1A900] =	vst v63  }
0x4e: {  	_ =	swait.ge [sflag:s0], $0x6400  }
0x4f: {  	[sflag:s0] =	ssyncset.done $0x0  }
0x50: {  	s25 =	simm.s32 $0x3E8;
	[sflag:s0] =	ssyncadd.s32 $0xFFFF9C00  }
0x51: {  	[tilespmem:s24], [sflag:$0x3] =	stream.indirect.gather [hbm4b:s1+s15], $0x80, s25, s15, $0xb8;
	[tilespmem:$0x1A900] =	vst v63  }
0x52: {  	s3 =	sadd.s32 $0x2580, s12;
	s14 =	simm.s32 $0x450;
	s25 =	simm.s32 $0x960  }
.LBB2_2:
0x53: {  	[tilespmem:s26], [sflag:$0x3] =	stream.indirect.gather [hbm4b:s1+s17], $0x80, s14, s17, $0xb8;
	[tilespmem:$0x1A900] =	vst v63  }
0x54: {  	s14 =	smov.u32 s25  }
0x55: {  	p0 =	sne.s32 s25, $0x4B00;
	s25 =	sadd.s32 $0x960, s25;
	_ =	swait.ge [sflag:s29], $0x3400  }
0x56: {  	[sflag:s29] =	ssyncset.done $0x0  }
0x57: {  	[sflag:s29] =	ssyncadd.s32 $0xFFFFCC00  }
0x58: {  	_ =	swait.ge [sflag:s29], $0x3000  }
0x59: {  	[sflag:s29] =	ssyncset.done $0x0  }
0x5a: {  	s19 =	sadd.s32 $0xFFFFF380, s3;
	[sflag:s29] =	ssyncadd.s32 $0xFFFFD000  }
0x5b: {  	[hbm4b:s19+s4] =	stream.linear.scatter [tilespmem:s20], [sflag:$0x5], $0x6400, $0x38;
	[tilespmem:$0x1A900] =	vst v63  }
0x5c: {  	_ =	swait.ge [sflag:s30], $0x6400  }
0x5d: {  	s14 =	sshra.s32 s14, $0x2;
	[sflag:s30] =	ssyncset.done $0x0  }
0x5e: {  	s19 =	sadd.s32 $0x258, s14;
	[sflag:s30] =	ssyncadd.s32 $0xFFFF9C00  }
0x5f: {  	[tilespmem:s16], [sflag:$0x1] =	stream.indirect.gather [hbm4b:s1+s15], $0x80, s19, s15, $0xb8;
	[tilespmem:$0x1A900] =	vst v63  }
0x60: {  	s19 =	sadd.s32 $0x2C0, s14  }
0x61: {  	[tilespmem:s18], [sflag:$0x1] =	stream.indirect.gather [hbm4b:s1+s17], $0x80, s19, s17, $0xb8;
	[tilespmem:$0x1A900] =	vst v63  }
0x62: {  	_ =	swait.ge [sflag:s31], $0x3400  }
0x63: {  	[sflag:s31] =	ssyncset.done $0x0  }
0x64: {  	[sflag:s31] =	ssyncadd.s32 $0xFFFFCC00  }
0x65: {  	_ =	swait.ge [sflag:s31], $0x3000  }
0x66: {  	[sflag:s31] =	ssyncset.done $0x0  }
0x67: {  	[sflag:s31] =	ssyncadd.s32 $0xFFFFD000  }
0x68: {  	[hbm4b:s3+s4] =	stream.linear.scatter [tilespmem:s24], [sflag:$0x6], $0x6400, $0x38;
	[tilespmem:$0x1A900] =	vst v63  }
0x69: {  	_ =	swait.ge [sflag:s2], $0x6400  }
0x6a: {  	[sflag:s2] =	ssyncset.done $0x0  }
0x6b: {  	s19 =	sadd.s32 $0x320, s14;
	[sflag:s2] =	ssyncadd.s32 $0xFFFF9C00  }
0x6c: {  	[tilespmem:s20], [sflag:$0x2] =	stream.indirect.gather [hbm4b:s1+s15], $0x80, s19, s15, $0xb8;
	[tilespmem:$0x1A900] =	vst v63  }
0x6d: {  	s19 =	sadd.s32 $0x388, s14  }
0x6e: {  	[tilespmem:s22], [sflag:$0x2] =	stream.indirect.gather [hbm4b:s1+s17], $0x80, s19, s17, $0xb8;
	[tilespmem:$0x1A900] =	vst v63  }
0x6f: {  	_ =	swait.ge [sflag:s28], $0x3400  }
0x70: {  	[sflag:s28] =	ssyncset.done $0x0  }
0x71: {  	[sflag:s28] =	ssyncadd.s32 $0xFFFFCC00  }
0x72: {  	_ =	swait.ge [sflag:s28], $0x3000  }
0x73: {  	[sflag:s28] =	ssyncset.done $0x0  }
0x74: {  	s19 =	sadd.s32 $0xC80, s3;
	[sflag:s28] =	ssyncadd.s32 $0xFFFFD000  }
0x75: {  	[hbm4b:s19+s4] =	stream.linear.scatter [tilespmem:s16], [sflag:$0x4], $0x6400, $0x38;
	[tilespmem:$0x1A900] =	vst v63  }
.Ltmp0:
0x76: {  	_ =	swait.ge [sflag:s0], $0x6400;
	(pc) =	sbr.rel @p0 .LBB2_2-.Ltmp0, $4  }
0x77: {  	[sflag:s0] =	ssyncset.done $0x0  }
0x78: {  	s19 =	sadd.s32 $0x3E8, s14;
	[sflag:s0] =	ssyncadd.s32 $0xFFFF9C00  }
0x79: {  	[tilespmem:s24], [sflag:$0x3] =	stream.indirect.gather [hbm4b:s1+s15], $0x80, s19, s15, $0xb8;
	[tilespmem:$0x1A900] =	vst v63  }
0x7a: {  	s3 =	sadd.s32 $0x2580, s3;
	s14 =	sadd.s32 $0x450, s14  }
0x7b: {  	[tilespmem:s26], [sflag:$0x3] =	stream.indirect.gather [hbm4b:s1+s17], $0x80, s14, s17, $0xb8;
	[tilespmem:$0x1A900] =	vst v63  }
0x7c: {  	_ =	swait.ge [sflag:s29], $0x3400  }
0x7d: {  	[sflag:s29] =	ssyncset.done $0x0  }
0x7e: {  	[sflag:s29] =	ssyncadd.s32 $0xFFFFCC00  }
0x7f: {  	_ =	swait.ge [sflag:s29], $0x3000  }
0x80: {  	[sflag:s29] =	ssyncset.done $0x0  }
0x81: {  	[sflag:s29] =	ssyncadd.s32 $0xFFFFD000  }
0x82: {  	[hbm4b:s7+s4] =	stream.linear.scatter [tilespmem:s20], [sflag:$0x5], $0x6400, $0x38;
	[tilespmem:$0x1A900] =	vst v63  }
0x83: {  	_ =	swait.ge [sflag:s30], $0x6400  }
0x84: {  	[sflag:s30] =	ssyncset.done $0x0  }
0x85: {  	s3 =	simm.s32 $0x1770;
	[sflag:s30] =	ssyncadd.s32 $0xFFFF9C00  }
0x86: {  	[tilespmem:s16], [sflag:$0x1] =	stream.indirect.gather [hbm4b:s1+s15], $0x80, s3, s15, $0xb8;
	[tilespmem:$0x1A900] =	vst v63  }
0x87: {  	s19 =	simm.s32 $0x17D8  }
0x88: {  	[tilespmem:s18], [sflag:$0x1] =	stream.indirect.gather [hbm4b:s1+s17], $0x80, s19, s17, $0xb8;
	[tilespmem:$0x1A900] =	vst v63  }
0x89: {  	_ =	swait.ge [sflag:s31], $0x3400  }
0x8a: {  	[sflag:s31] =	ssyncset.done $0x0  }
0x8b: {  	[sflag:s31] =	ssyncadd.s32 $0xFFFFCC00  }
0x8c: {  	_ =	swait.ge [sflag:s31], $0x3000  }
0x8d: {  	[sflag:s31] =	ssyncset.done $0x0  }
0x8e: {  	[sflag:s31] =	ssyncadd.s32 $0xFFFFD000  }
0x8f: {  	[hbm4b:s8+s4] =	stream.linear.scatter [tilespmem:s24], [sflag:$0x6], $0x6400, $0x38;
	[tilespmem:$0x1A900] =	vst v63  }
0x90: {  	_ =	swait.ge [sflag:s2], $0x6400  }
0x91: {  	[sflag:s2] =	ssyncset.done $0x0  }
0x92: {  	s25 =	simm.s32 $0x1838;
	[sflag:s2] =	ssyncadd.s32 $0xFFFF9C00  }
0x93: {  	[tilespmem:s20], [sflag:$0x2] =	stream.indirect.gather [hbm4b:s1+s15], $0x80, s25, s15, $0xb8;
	[tilespmem:$0x1A900] =	vst v63  }
0x94: {  	_ = 	snop  }
0x95: {  	[tilespmem:s22], [sflag:$0x2] =	stream.indirect.gather [hbm4b:s1+s17], $0x80, s21, s17, $0xb8;
	[tilespmem:$0x1A900] =	vst v63  }
0x96: {  	_ =	swait.ge [sflag:s28], $0x3400  }
0x97: {  	[sflag:s28] =	ssyncset.done $0x0  }
0x98: {  	[sflag:s28] =	ssyncadd.s32 $0xFFFFCC00  }
0x99: {  	_ =	swait.ge [sflag:s28], $0x3000  }
0x9a: {  	[sflag:s28] =	ssyncset.done $0x0  }
0x9b: {  	[sflag:s28] =	ssyncadd.s32 $0xFFFFD000  }
0x9c: {  	[hbm4b:s9+s4] =	stream.linear.scatter [tilespmem:s16], [sflag:$0x4], $0x6400, $0x38;
	[tilespmem:$0x1A900] =	vst v63  }
0x9d: {  	_ =	swait.ge [sflag:s0], $0x6400  }
0x9e: {  	[sflag:s0] =	ssyncset.done $0x0  }
0x9f: {  	[sflag:s0] =	ssyncadd.s32 $0xFFFF9C00  }
0xa0: {  	_ =	swait.ge [sflag:s29], $0x3400  }
0xa1: {  	[sflag:s29] =	ssyncset.done $0x0  }
0xa2: {  	[sflag:s29] =	ssyncadd.s32 $0xFFFFCC00  }
0xa3: {  	_ =	swait.ge [sflag:s29], $0x3000  }
0xa4: {  	[sflag:s29] =	ssyncset.done $0x0  }
0xa5: {  	s23 =	sadd.s32 $0x1, s23;
	[sflag:s29] =	ssyncadd.s32 $0xFFFFD000  }
0xa6: {  	[hbm4b:s10+s4] =	stream.linear.scatter [tilespmem:s20], [sflag:$0x5], $0x6400, $0x38;
	[tilespmem:$0x1A900] =	vst v63  }
0xa7: {  	p0 =	sne.s32 s23, s11;
	_ =	swait.ge [sflag:s30], $0x6400  }
.Ltmp1:
0xa8: {  	[sflag:s30] =	ssyncset.done $0x0;
	(pc) =	sbr.rel @p0 .LBB2_1-.Ltmp1, $4  }
0xa9: {  	[sflag:s30] =	ssyncadd.s32 $0xFFFF9C00  }
0xaa: {  	_ =	swait.ge [sflag:s2], $0x6400  }
0xab: {  	[sflag:s2] =	ssyncset.done $0x0  }
0xac: {  	[sflag:s2] =	ssyncadd.s32 $0xFFFF9C00  }
0xad: {  	_ =	sfence.sel $0x180000  }
0xae: {  	[bflag:$0x0] =	sbarrier.arrive $0xFFFF  }
0xaf: {  	_ =	strace $0x90000047  }
0xb0: {  	s0 =	stileid.u32;
	[bflag:$0x2] =	sbarrier.arrive $0xFFFF  }
0xb1: {  	p0 =	sne.s32 s0, $0x0;
	s0 =	rddreg [dreg:$0x4]  }
0xb2: {  	s0 =	sadd.s32 @!p0 $0x100000, s0  }
0xb3: {  	[sflag:s0] =	ssyncadd.tile.s32 @!p0 $0x1;
	_ =	shalt  }
.Lfunc_end2:
_tile_overlayer_lowered:
.L_overlay_start_2:
0xb4: {  	(tag) =	ssettag $0x2  }
0xb5: {  	s0 =	rddreg [dreg:$0x0];
	s2 =	stileid.u32  }
0xb6: {  	s1 =	rddreg [dreg:$0x1];
	p0 =	sne.s32 s2, $0x0  }
0xb7: {  	s3 =	rddreg [dreg:$0x2];
	[bflag:$0x3] =	sbarrier.arrive $0xFFFF;
	s2 =	simm.s32 @!p0 $0x1C07  }
0xb8: {  	[timem:s3], [sflag:s2] =	dma.local @!p0 [hbm:s0], s1  }
0xb9: {  	s0 =	simm.s32 @!p0 $0x7  }
0xba: {  	_ =	swait.ge @!p0 [sflag:s0], s1  }
0xbb: {  	s1 =	ssub.s32 @!p0 $0x0, s1;
	[sflag:s0] =	ssyncset.done @!p0 $0x0  }
0xbc: {  	[sflag:s0] =	ssyncadd.s32 @!p0 s1  }
0xbd: {  	[bflag:$0x3] =	sbarrier.arrive $0xFFFF  }
0xbe: {  	_ =	shalt  }

</sc_bundles>
